<compile_context>
chip_gen: v7x
topology: tpu7x:2x2x1
jax: 0.10.2.dev20260603
libtpu: 0.0.44.dev20260713+nightly
codegen_flags: <defaults>
</compile_context>

<pallas_src>
import functools

import jax
import jax.numpy as jnp
from jax import lax
from jax.experimental import pallas as pl
from jax.experimental.pallas import tpu as pltpu
from jax.experimental.pallas import tpu_sc as plsc

K = 512
B = K - 1
M = 4
DEG = 3
NCOEF = M * DEG * DEG
NROW = 48

NW = 32
CHUNK = 128
VECS = CHUNK // 16
LN2 = 0.6931471805599453


@functools.partial(jax.jit, static_argnames=("P", "CHUNKS"))
def _sc_call(x0, x1, k0, k1, tab, P, CHUNKS):
  mesh = plsc.VectorSubcoreMesh(core_axis_name="c", subcore_axis_name="s")

  @functools.partial(
      pl.kernel,
      mesh=mesh,
      compiler_params=pltpu.CompilerParams(
          needs_layout_passes=False, use_tc_tiling_on_sc=False),
      out_type=jax.ShapeDtypeStruct((NW * P,), jnp.float32),
      scratch_types=[
          pltpu.VMEM((P,), jnp.float32),
          pltpu.VMEM((P,), jnp.float32),
          pltpu.VMEM((P,), jnp.float32),
          pltpu.VMEM((K,), jnp.float32),
          pltpu.VMEM((K,), jnp.float32),
          pltpu.VMEM((CHUNK, NROW), jnp.float32),
          pltpu.VMEM((CHUNK,), jnp.int32),
          pltpu.VMEM((CHUNK,), jnp.float32),
          pltpu.VMEM((CHUNK,), jnp.float32),
          pltpu.SemaphoreType.DMA,
      ],
  )
  def kern(x0_hbm, x1_hbm, k0_hbm, k1_hbm, tab_hbm, out_hbm,
           x0_v, x1_v, out_v, k0_v, k1_v, coeff_v, idx_v, t0_v, t1_v, sem):
    wid = lax.axis_index("s") * 2 + lax.axis_index("c")
    base = wid * P
    pltpu.sync_copy(x0_hbm.at[pl.ds(base, P)], x0_v)
    pltpu.sync_copy(x1_hbm.at[pl.ds(base, P)], x1_v)
    pltpu.sync_copy(k0_hbm, k0_v)
    pltpu.sync_copy(k1_hbm, k1_v)

    lanes = lax.iota(jnp.int32, 16)

    def search(kref, xv):
      pos = jnp.zeros((16,), jnp.int32)
      step = K // 2
      while step >= 1:
        kv = plsc.load_gather(kref, [pos + (step - 1)])
        pos = jnp.where(kv < xv, pos + step, pos)
        step //= 2
      return jnp.clip(pos - 1, 0, B - 1)

    def chunk_body(g, carry):
      off = g * CHUNK

      def search_vec(jv, c):
        o = off + jv * 16
        xv0 = x0_v[pl.ds(o, 16)]
        xv1 = x1_v[pl.ds(o, 16)]
        i0 = search(k0_v, xv0)
        i1 = search(k1_v, xv1)
        s0 = plsc.load_gather(k0_v, [i0])
        s1 = plsc.load_gather(k1_v, [i1])
        w = jv * 16
        idx_v[pl.ds(w, 16)] = i0 * B + i1
        t0_v[pl.ds(w, 16)] = xv0 - s0
        t1_v[pl.ds(w, 16)] = xv1 - s1
        return c

      lax.fori_loop(0, VECS, search_vec, 0)
      pltpu.async_copy(tab_hbm.at[idx_v], coeff_v, sem).wait()

      def compute_vec(jv, c):
        w = jv * 16
        pt = lanes + w
        t0 = t0_v[pl.ds(w, 16)]
        t1 = t1_v[pl.ds(w, 16)]
        acc = jnp.zeros((16,), jnp.float32)
        for m in range(M):
          q = []
          for i in range(DEG):
            cb = m * 9 + i * 3
            c0 = plsc.load_gather(coeff_v, [pt, jnp.full((16,), cb, jnp.int32)])
            c1 = plsc.load_gather(coeff_v, [pt, jnp.full((16,), cb + 1, jnp.int32)])
            c2 = plsc.load_gather(coeff_v, [pt, jnp.full((16,), cb + 2, jnp.int32)])
            q.append(c0 + t1 * (c1 + t1 * c2))
          val = q[0] + t0 * (q[1] + t0 * q[2])
          acc = acc + val * val
        d = jnp.maximum(acc, 1e-38)
        small = d < 1.1754944e-38
        d = jnp.where(small, d * 1.8446744e19, d)
        bits = lax.bitcast_convert_type(d, jnp.int32)
        e = (bits >> 23) - 127
        mant = lax.bitcast_convert_type(
            (bits & 0x007FFFFF) | 0x3F800000, jnp.float32)
        big = mant > 1.4142135
        mant = jnp.where(big, mant * 0.5, mant)
        e = jnp.where(big, e + 1, e)
        z = (mant - 1.0) / (mant + 1.0)
        z2 = z * z
        lnm = z * (2.0 + z2 * (2.0 / 3.0 + z2 * (0.4 + z2 * (2.0 / 7.0))))
        ef = e.astype(jnp.float32) - jnp.where(small, 64.0, 0.0)
        out_v[pl.ds(off + w, 16)] = ef * LN2 + lnm
        return c

      lax.fori_loop(0, VECS, compute_vec, 0)
      return carry

    lax.fori_loop(0, CHUNKS, chunk_body, 0)
    pltpu.sync_copy(out_v, out_hbm.at[pl.ds(base, P)])

  return kern(x0, x1, k0, k1, tab)


def kernel(x, knots, poly_params, mixture_weights, integrals_2dgrid):
  n = x.shape[0]
  chunks = -(-n // (NW * CHUNK))
  p = chunks * CHUNK
  n_pad = NW * p
  scale = jnp.sqrt(mixture_weights[0][:, None, None] / integrals_2dgrid[0])
  tab = poly_params[0] * scale[:, :, :, None, None]
  tab = tab.reshape(M, B * B, DEG * DEG).transpose(1, 0, 2).reshape(B * B, NCOEF)
  tab = jnp.pad(tab, ((0, 0), (0, NROW - NCOEF)))
  x0 = jnp.pad(x[:, 0], (0, n_pad - n))
  x1 = jnp.pad(x[:, 1], (0, n_pad - n))
  out = _sc_call(x0, x1, knots[:, 0], knots[:, 1], tab, p, chunks)
  return out[:n]

# --- scband reference (transcript-rebuilt; emitter-appended) ---
"""Pipeline reference for scband-spline-sq2-d-43731357008085 (READ-ONLY COPY).

The authoritative reference and input builder live on the scoring server;
editing this copy changes nothing except your own understanding.
"""

import jax, jax.numpy as jnp
import numpy as np

N = 500000
K = 512          # num_knots per dimension
M = 4            # num_mixtures
DEG = 3          # polynomial coeffs per dim (quadratic: 1, t, t^2)


def setup_inputs(seed: int = 0) -> dict:
    key = jax.random.key(seed)
    ks = jax.random.split(key, 6)
    # query points in [0,1]^2
    x = jax.random.uniform(ks[0], (N, 2), dtype=jnp.float32)
    # per-dimension sorted knot grid covering [0,1]
    knots = jnp.sort(jax.random.uniform(ks[1], (K, 2), dtype=jnp.float32), axis=0)
    knots = knots.at[0].set(0.0).at[-1].set(1.0)
    B = K - 1
    # per-bin, per-mixture tensor-product polynomial coefficients (unbatched: leading dim 1)
    poly_params = jax.random.normal(ks[2], (1, M, B, B, DEG, DEG), dtype=jnp.float32) * 0.5
    # precomputed integral of squared poly over each 2D bin (positive normalizers)
    integrals_2dgrid = jax.random.uniform(ks[3], (1, M, B, B), dtype=jnp.float32) + 0.5
    mixture_weights = jax.nn.softmax(jax.random.normal(ks[4], (1, M), dtype=jnp.float32), axis=-1)
    return {
        "x": x,
        "knots": knots,
        "poly_params": poly_params,
        "mixture_weights": mixture_weights,
        "integrals_2dgrid": integrals_2dgrid,
    }


def reference(x, knots, poly_params, mixture_weights, integrals_2dgrid):
    """log p(x) for a squared mixture-of-splines 2D density (SplineSQ2D.log_dens)."""
    eps = -1.0
    Kn = knots.shape[0]
    # get_bins: per-dim searchsorted, clamp to valid bin range
    i0 = jnp.clip(jnp.searchsorted(knots[:, 0], x[:, 0]) - 1, 0, Kn - 2)
    i1 = jnp.clip(jnp.searchsorted(knots[:, 1], x[:, 1]) - 1, 0, Kn - 2)
    start_coords = jnp.stack([knots[i0, 0], knots[i1, 1]], axis=1)
    t = x - start_coords  # [N, 2], offset within bin
    deg = poly_params.shape[-1]
    powers = jnp.arange(deg, dtype=jnp.float32)
    p0 = t[:, 0][:, None] ** powers  # [N, deg]
    p1 = t[:, 1][:, None] ** powers  # [N, deg]
    # gather per-bin coefficients and normalizers (memory-bound random gathers)
    coeffs = poly_params[0][:, i0, i1]          # [M, N, deg, deg]
    integ = integrals_2dgrid[0][:, i0, i1]      # [M, N]
    # evaluate tensor-product polynomial per mixture
    val = jnp.einsum('mnij,ni,nj->nm', coeffs, p0, p1)  # [N, M]
    dens_m = (val * val) / jnp.transpose(integ)          # squared poly / integral normalizer
    dens = jnp.sum(dens_m * mixture_weights[0][None, :], axis=1)  # [N]
    floor = eps if eps > 0 else 1e-38
    log_dens = jnp.log(jnp.maximum(dens, floor))
    return log_dens

if __name__ == "__main__":
    import jax
    _d = setup_inputs()
    print(jax.jit(kernel)(*tuple(_d.values())))

</pallas_src>

<mosaic_0001>
#map = affine_map<(d0, d1) -> (0)>
#map1 = affine_map<(d0, d1) -> (0, 0)>
module attributes {stable_mosaic.version = 14 : i64} {
  func.func @kern(%arg0: i32, %arg1: i32, %arg2: memref<503808xf32, #tpu.memory_space<hbm>>, %arg3: memref<503808xf32, #tpu.memory_space<hbm>>, %arg4: memref<512xf32, #tpu.memory_space<hbm>>, %arg5: memref<512xf32, #tpu.memory_space<hbm>>, %arg6: memref<261121x48xf32, #tpu.memory_space<hbm>>, %arg7: memref<503808xf32, #tpu.memory_space<hbm>>, %arg8: memref<15744xf32, #tpu.memory_space<vmem>>, %arg9: memref<15744xf32, #tpu.memory_space<vmem>>, %arg10: memref<15744xf32, #tpu.memory_space<vmem>>, %arg11: memref<512xf32, #tpu.memory_space<vmem>>, %arg12: memref<512xf32, #tpu.memory_space<vmem>>, %arg13: memref<128x48xf32, #tpu.memory_space<vmem>>, %arg14: memref<128xi32, #tpu.memory_space<vmem>>, %arg15: memref<128xf32, #tpu.memory_space<vmem>>, %arg16: memref<128xf32, #tpu.memory_space<vmem>>, %arg17: memref<!tpu.dma_semaphore, #tpu.memory_space<semaphore_mem>>) attributes {dimension_semantics = [#tpu.dimension_semantics<core_parallel>, #tpu.dimension_semantics<subcore_parallel>], iteration_bounds = array<i64: 2, 16>, scalar_prefetch = 0 : i64, scratch_operands = 10 : i64, tpu.core_type = #tpu.core_type<sc_vector_subcore>, window_params = [{transform_indices = #map}, {transform_indices = #map}, {transform_indices = #map}, {transform_indices = #map}, {transform_indices = #map1}, {transform_indices = #map}]} {
    %mul3A = arith.constant 2 : i32
    %mul3A_0 = arith.muli %arg1, %mul3A : i32
    %add3A = arith.addi %mul3A_0, %arg0 : i32
    %mul3A_1 = arith.constant 15744 : i32
    %mul3A_2 = arith.muli %add3A, %mul3A_1 : i32
    "tpu.region"() ({
      %run_scoped3A = tpu.sem_alloc : memref<!tpu.dma_semaphore, #tpu.memory_space<semaphore_mem>>
      %dma_start3A = tpu.memref_slice %arg2[%mul3A_2] : memref<503808xf32, #tpu.memory_space<hbm>> -> memref<15744xf32, #tpu.memory_space<hbm>>
      %dma_start3A_8 = tpu.memref_slice %arg2[%mul3A_2] : memref<503808xf32, #tpu.memory_space<hbm>> -> memref<15744xf32, #tpu.memory_space<hbm>>
      tpu.enqueue_dma source(%dma_start3A_8 : memref<15744xf32, #tpu.memory_space<hbm>>) target(%arg8 : memref<15744xf32, #tpu.memory_space<vmem>>) target_semaphore(%run_scoped3A : memref<!tpu.dma_semaphore, #tpu.memory_space<semaphore_mem>>)
      %dma_wait3A = tpu.memref_slice %arg2[%mul3A_2] : memref<503808xf32, #tpu.memory_space<hbm>> -> memref<15744xf32, #tpu.memory_space<hbm>>
      %dma_wait3A_9 = tpu.memref_slice %arg2[%mul3A_2] : memref<503808xf32, #tpu.memory_space<hbm>> -> memref<15744xf32, #tpu.memory_space<hbm>>
      tpu.wait_dma2 semaphore(%run_scoped3A : memref<!tpu.dma_semaphore, #tpu.memory_space<semaphore_mem>>) src(%dma_wait3A_9 : memref<15744xf32, #tpu.memory_space<hbm>>) dst(%arg8 : memref<15744xf32, #tpu.memory_space<vmem>>)
      tpu.yield
    }) : () -> ()
    "tpu.region"() ({
      %run_scoped3A = tpu.sem_alloc : memref<!tpu.dma_semaphore, #tpu.memory_space<semaphore_mem>>
      %dma_start3A = tpu.memref_slice %arg3[%mul3A_2] : memref<503808xf32, #tpu.memory_space<hbm>> -> memref<15744xf32, #tpu.memory_space<hbm>>
      %dma_start3A_8 = tpu.memref_slice %arg3[%mul3A_2] : memref<503808xf32, #tpu.memory_space<hbm>> -> memref<15744xf32, #tpu.memory_space<hbm>>
      tpu.enqueue_dma source(%dma_start3A_8 : memref<15744xf32, #tpu.memory_space<hbm>>) target(%arg9 : memref<15744xf32, #tpu.memory_space<vmem>>) target_semaphore(%run_scoped3A : memref<!tpu.dma_semaphore, #tpu.memory_space<semaphore_mem>>)
      %dma_wait3A = tpu.memref_slice %arg3[%mul3A_2] : memref<503808xf32, #tpu.memory_space<hbm>> -> memref<15744xf32, #tpu.memory_space<hbm>>
      %dma_wait3A_9 = tpu.memref_slice %arg3[%mul3A_2] : memref<503808xf32, #tpu.memory_space<hbm>> -> memref<15744xf32, #tpu.memory_space<hbm>>
      tpu.wait_dma2 semaphore(%run_scoped3A : memref<!tpu.dma_semaphore, #tpu.memory_space<semaphore_mem>>) src(%dma_wait3A_9 : memref<15744xf32, #tpu.memory_space<hbm>>) dst(%arg9 : memref<15744xf32, #tpu.memory_space<vmem>>)
      tpu.yield
    }) : () -> ()
    "tpu.region"() ({
      %run_scoped3A = tpu.sem_alloc : memref<!tpu.dma_semaphore, #tpu.memory_space<semaphore_mem>>
      tpu.enqueue_dma source(%arg4 : memref<512xf32, #tpu.memory_space<hbm>>) target(%arg11 : memref<512xf32, #tpu.memory_space<vmem>>) target_semaphore(%run_scoped3A : memref<!tpu.dma_semaphore, #tpu.memory_space<semaphore_mem>>)
      tpu.wait_dma2 semaphore(%run_scoped3A : memref<!tpu.dma_semaphore, #tpu.memory_space<semaphore_mem>>) src(%arg4 : memref<512xf32, #tpu.memory_space<hbm>>) dst(%arg11 : memref<512xf32, #tpu.memory_space<vmem>>)
      tpu.yield
    }) : () -> ()
    "tpu.region"() ({
      %run_scoped3A = tpu.sem_alloc : memref<!tpu.dma_semaphore, #tpu.memory_space<semaphore_mem>>
      tpu.enqueue_dma source(%arg5 : memref<512xf32, #tpu.memory_space<hbm>>) target(%arg12 : memref<512xf32, #tpu.memory_space<vmem>>) target_semaphore(%run_scoped3A : memref<!tpu.dma_semaphore, #tpu.memory_space<semaphore_mem>>)
      tpu.wait_dma2 semaphore(%run_scoped3A : memref<!tpu.dma_semaphore, #tpu.memory_space<semaphore_mem>>) src(%arg5 : memref<512xf32, #tpu.memory_space<hbm>>) dst(%arg12 : memref<512xf32, #tpu.memory_space<vmem>>)
      tpu.yield
    }) : () -> ()
    %iota3A = tpu.iota {dimensions = array<i32: 0>} : vector<16xi32>
    %scan3A = arith.constant 0 : i32
    %scan3A_3 = arith.constant 0 : i32
    %scan3A_4 = arith.constant 123 : i32
    %scan3A_5 = arith.addi %scan3A_3, %scan3A_4 : i32
    %scan3A_6 = arith.constant 1 : i32
    scf.for %scan3A_8 = %scan3A_3 to %scan3A_5 step %scan3A_6  : i32 {
      %mul3A_9 = arith.constant 128 : i32
      %mul3A_10 = arith.muli %scan3A_8, %mul3A_9 : i32
      %scan3A_11 = arith.constant 0 : i32
      %scan3A_12 = arith.constant 0 : i32
      %scan3A_13 = arith.constant 8 : i32
      %scan3A_14 = arith.addi %scan3A_12, %scan3A_13 : i32
      %scan3A_15 = arith.constant 1 : i32
      scf.for %scan3A_27 = %scan3A_12 to %scan3A_14 step %scan3A_15  : i32 {
        %mul3A_28 = arith.constant 16 : i32
        %mul3A_29 = arith.muli %scan3A_27, %mul3A_28 : i32
        %add3A_30 = arith.addi %mul3A_10, %mul3A_29 : i32
        %get3A = arith.index_cast %add3A_30 : i32 to index
        %get3A_31 = tpu.vector_load %arg8[%get3A] {strides = array<i32>} : memref<15744xf32, #tpu.memory_space<vmem>>, vector<16xf32>,
        %get3A_32 = arith.index_cast %add3A_30 : i32 to index
        %get3A_33 = tpu.vector_load %arg9[%get3A_32] {strides = array<i32>} : memref<15744xf32, #tpu.memory_space<vmem>>, vector<16xf32>,
        %broadcast_in_dim3A = arith.constant 0 : i32
        %broadcast_in_dim3A_34 = vector.broadcast %broadcast_in_dim3A : i32 to vector<16xi32>
        %add3A_35 = arith.constant 255 : i32
        %add3A_36 = vector.broadcast %add3A_35 : i32 to vector<16xi32>
        %add3A_37 = arith.addi %broadcast_in_dim3A_34, %add3A_36 : vector<16xi32>
        %gather3A = tpu.vector_load_idx %arg11[%add3A_37] : memref<512xf32, #tpu.memory_space<vmem>>[vector<16xi32>], vector<16xf32>,
        %lt3A = arith.cmpf olt, %gather3A, %get3A_31 : vector<16xf32>
        %add3A_38 = arith.constant 256 : i32
        %add3A_39 = vector.broadcast %add3A_38 : i32 to vector<16xi32>
        %add3A_40 = arith.addi %broadcast_in_dim3A_34, %add3A_39 : vector<16xi32>
        %select_n3A = arith.select %lt3A, %add3A_40, %broadcast_in_dim3A_34 : vector<16xi1>, vector<16xi32>
        %add3A_41 = arith.constant 127 : i32
        %add3A_42 = vector.broadcast %add3A_41 : i32 to vector<16xi32>
        %add3A_43 = arith.addi %select_n3A, %add3A_42 : vector<16xi32>
        %gather3A_44 = tpu.vector_load_idx %arg11[%add3A_43] : memref<512xf32, #tpu.memory_space<vmem>>[vector<16xi32>], vector<16xf32>,
        %lt3A_45 = arith.cmpf olt, %gather3A_44, %get3A_31 : vector<16xf32>
        %add3A_46 = arith.constant 128 : i32
        %add3A_47 = vector.broadcast %add3A_46 : i32 to vector<16xi32>
        %add3A_48 = arith.addi %select_n3A, %add3A_47 : vector<16xi32>
        %select_n3A_49 = arith.select %lt3A_45, %add3A_48, %select_n3A : vector<16xi1>, vector<16xi32>
        %add3A_50 = arith.constant 63 : i32
        %add3A_51 = vector.broadcast %add3A_50 : i32 to vector<16xi32>
        %add3A_52 = arith.addi %select_n3A_49, %add3A_51 : vector<16xi32>
        %gather3A_53 = tpu.vector_load_idx %arg11[%add3A_52] : memref<512xf32, #tpu.memory_space<vmem>>[vector<16xi32>], vector<16xf32>,
        %lt3A_54 = arith.cmpf olt, %gather3A_53, %get3A_31 : vector<16xf32>
        %add3A_55 = arith.constant 64 : i32
        %add3A_56 = vector.broadcast %add3A_55 : i32 to vector<16xi32>
        %add3A_57 = arith.addi %select_n3A_49, %add3A_56 : vector<16xi32>
        %select_n3A_58 = arith.select %lt3A_54, %add3A_57, %select_n3A_49 : vector<16xi1>, vector<16xi32>
        %add3A_59 = arith.constant 31 : i32
        %add3A_60 = vector.broadcast %add3A_59 : i32 to vector<16xi32>
        %add3A_61 = arith.addi %select_n3A_58, %add3A_60 : vector<16xi32>
        %gather3A_62 = tpu.vector_load_idx %arg11[%add3A_61] : memref<512xf32, #tpu.memory_space<vmem>>[vector<16xi32>], vector<16xf32>,
        %lt3A_63 = arith.cmpf olt, %gather3A_62, %get3A_31 : vector<16xf32>
        %add3A_64 = arith.constant 32 : i32
        %add3A_65 = vector.broadcast %add3A_64 : i32 to vector<16xi32>
        %add3A_66 = arith.addi %select_n3A_58, %add3A_65 : vector<16xi32>
        %select_n3A_67 = arith.select %lt3A_63, %add3A_66, %select_n3A_58 : vector<16xi1>, vector<16xi32>
        %add3A_68 = arith.constant 15 : i32
        %add3A_69 = vector.broadcast %add3A_68 : i32 to vector<16xi32>
        %add3A_70 = arith.addi %select_n3A_67, %add3A_69 : vector<16xi32>
        %gather3A_71 = tpu.vector_load_idx %arg11[%add3A_70] : memref<512xf32, #tpu.memory_space<vmem>>[vector<16xi32>], vector<16xf32>,
        %lt3A_72 = arith.cmpf olt, %gather3A_71, %get3A_31 : vector<16xf32>
        %add3A_73 = arith.constant 16 : i32
        %add3A_74 = vector.broadcast %add3A_73 : i32 to vector<16xi32>
        %add3A_75 = arith.addi %select_n3A_67, %add3A_74 : vector<16xi32>
        %select_n3A_76 = arith.select %lt3A_72, %add3A_75, %select_n3A_67 : vector<16xi1>, vector<16xi32>
        %add3A_77 = arith.constant 7 : i32
        %add3A_78 = vector.broadcast %add3A_77 : i32 to vector<16xi32>
        %add3A_79 = arith.addi %select_n3A_76, %add3A_78 : vector<16xi32>
        %gather3A_80 = tpu.vector_load_idx %arg11[%add3A_79] : memref<512xf32, #tpu.memory_space<vmem>>[vector<16xi32>], vector<16xf32>,
        %lt3A_81 = arith.cmpf olt, %gather3A_80, %get3A_31 : vector<16xf32>
        %add3A_82 = arith.constant 8 : i32
        %add3A_83 = vector.broadcast %add3A_82 : i32 to vector<16xi32>
        %add3A_84 = arith.addi %select_n3A_76, %add3A_83 : vector<16xi32>
        %select_n3A_85 = arith.select %lt3A_81, %add3A_84, %select_n3A_76 : vector<16xi1>, vector<16xi32>
        %add3A_86 = arith.constant 3 : i32
        %add3A_87 = vector.broadcast %add3A_86 : i32 to vector<16xi32>
        %add3A_88 = arith.addi %select_n3A_85, %add3A_87 : vector<16xi32>
        %gather3A_89 = tpu.vector_load_idx %arg11[%add3A_88] : memref<512xf32, #tpu.memory_space<vmem>>[vector<16xi32>], vector<16xf32>,
        %lt3A_90 = arith.cmpf olt, %gather3A_89, %get3A_31 : vector<16xf32>
        %add3A_91 = arith.constant 4 : i32
        %add3A_92 = vector.broadcast %add3A_91 : i32 to vector<16xi32>
        %add3A_93 = arith.addi %select_n3A_85, %add3A_92 : vector<16xi32>
        %select_n3A_94 = arith.select %lt3A_90, %add3A_93, %select_n3A_85 : vector<16xi1>, vector<16xi32>
        %add3A_95 = arith.constant 1 : i32
        %add3A_96 = vector.broadcast %add3A_95 : i32 to vector<16xi32>
        %add3A_97 = arith.addi %select_n3A_94, %add3A_96 : vector<16xi32>
        %gather3A_98 = tpu.vector_load_idx %arg11[%add3A_97] : memref<512xf32, #tpu.memory_space<vmem>>[vector<16xi32>], vector<16xf32>,
        %lt3A_99 = arith.cmpf olt, %gather3A_98, %get3A_31 : vector<16xf32>
        %add3A_100 = arith.constant 2 : i32
        %add3A_101 = vector.broadcast %add3A_100 : i32 to vector<16xi32>
        %add3A_102 = arith.addi %select_n3A_94, %add3A_101 : vector<16xi32>
        %select_n3A_103 = arith.select %lt3A_99, %add3A_102, %select_n3A_94 : vector<16xi1>, vector<16xi32>
        %add3A_104 = arith.constant 0 : i32
        %add3A_105 = vector.broadcast %add3A_104 : i32 to vector<16xi32>
        %add3A_106 = arith.addi %select_n3A_103, %add3A_105 : vector<16xi32>
        %gather3A_107 = tpu.vector_load_idx %arg11[%add3A_106] : memref<512xf32, #tpu.memory_space<vmem>>[vector<16xi32>], vector<16xf32>,
        %lt3A_108 = arith.cmpf olt, %gather3A_107, %get3A_31 : vector<16xf32>
        %add3A_109 = arith.constant 1 : i32
        %add3A_110 = vector.broadcast %add3A_109 : i32 to vector<16xi32>
        %add3A_111 = arith.addi %select_n3A_103, %add3A_110 : vector<16xi32>
        %select_n3A_112 = arith.select %lt3A_108, %add3A_111, %select_n3A_103 : vector<16xi1>, vector<16xi32>
        %sub3A = arith.constant 1 : i32
        %sub3A_113 = vector.broadcast %sub3A : i32 to vector<16xi32>
        %sub3A_114 = arith.subi %select_n3A_112, %sub3A_113 : vector<16xi32>
        %jit3A = arith.constant 0 : i32
        %jit3A_115 = arith.constant 510 : i32
        %max3A = vector.broadcast %jit3A : i32 to vector<16xi32>
        %max3A_116 = arith.maxsi %max3A, %sub3A_114 : vector<16xi32>
        %min3A = vector.broadcast %jit3A_115 : i32 to vector<16xi32>
        %min3A_117 = arith.minsi %min3A, %max3A_116 : vector<16xi32>
        %broadcast_in_dim3A_118 = arith.constant 0 : i32
        %broadcast_in_dim3A_119 = vector.broadcast %broadcast_in_dim3A_118 : i32 to vector<16xi32>
        %add3A_120 = arith.constant 255 : i32
        %add3A_121 = vector.broadcast %add3A_120 : i32 to vector<16xi32>
        %add3A_122 = arith.addi %broadcast_in_dim3A_119, %add3A_121 : vector<16xi32>
        %gather3A_123 = tpu.vector_load_idx %arg12[%add3A_122] : memref<512xf32, #tpu.memory_space<vmem>>[vector<16xi32>], vector<16xf32>,
        %lt3A_124 = arith.cmpf olt, %gather3A_123, %get3A_33 : vector<16xf32>
        %add3A_125 = arith.constant 256 : i32
        %add3A_126 = vector.broadcast %add3A_125 : i32 to vector<16xi32>
        %add3A_127 = arith.addi %broadcast_in_dim3A_119, %add3A_126 : vector<16xi32>
        %select_n3A_128 = arith.select %lt3A_124, %add3A_127, %broadcast_in_dim3A_119 : vector<16xi1>, vector<16xi32>
        %add3A_129 = arith.constant 127 : i32
        %add3A_130 = vector.broadcast %add3A_129 : i32 to vector<16xi32>
        %add3A_131 = arith.addi %select_n3A_128, %add3A_130 : vector<16xi32>
        %gather3A_132 = tpu.vector_load_idx %arg12[%add3A_131] : memref<512xf32, #tpu.memory_space<vmem>>[vector<16xi32>], vector<16xf32>,
        %lt3A_133 = arith.cmpf olt, %gather3A_132, %get3A_33 : vector<16xf32>
        %add3A_134 = arith.constant 128 : i32
        %add3A_135 = vector.broadcast %add3A_134 : i32 to vector<16xi32>
        %add3A_136 = arith.addi %select_n3A_128, %add3A_135 : vector<16xi32>
        %select_n3A_137 = arith.select %lt3A_133, %add3A_136, %select_n3A_128 : vector<16xi1>, vector<16xi32>
        %add3A_138 = arith.constant 63 : i32
        %add3A_139 = vector.broadcast %add3A_138 : i32 to vector<16xi32>
        %add3A_140 = arith.addi %select_n3A_137, %add3A_139 : vector<16xi32>
        %gather3A_141 = tpu.vector_load_idx %arg12[%add3A_140] : memref<512xf32, #tpu.memory_space<vmem>>[vector<16xi32>], vector<16xf32>,
        %lt3A_142 = arith.cmpf olt, %gather3A_141, %get3A_33 : vector<16xf32>
        %add3A_143 = arith.constant 64 : i32
        %add3A_144 = vector.broadcast %add3A_143 : i32 to vector<16xi32>
        %add3A_145 = arith.addi %select_n3A_137, %add3A_144 : vector<16xi32>
        %select_n3A_146 = arith.select %lt3A_142, %add3A_145, %select_n3A_137 : vector<16xi1>, vector<16xi32>
        %add3A_147 = arith.constant 31 : i32
        %add3A_148 = vector.broadcast %add3A_147 : i32 to vector<16xi32>
        %add3A_149 = arith.addi %select_n3A_146, %add3A_148 : vector<16xi32>
        %gather3A_150 = tpu.vector_load_idx %arg12[%add3A_149] : memref<512xf32, #tpu.memory_space<vmem>>[vector<16xi32>], vector<16xf32>,
        %lt3A_151 = arith.cmpf olt, %gather3A_150, %get3A_33 : vector<16xf32>
        %add3A_152 = arith.constant 32 : i32
        %add3A_153 = vector.broadcast %add3A_152 : i32 to vector<16xi32>
        %add3A_154 = arith.addi %select_n3A_146, %add3A_153 : vector<16xi32>
        %select_n3A_155 = arith.select %lt3A_151, %add3A_154, %select_n3A_146 : vector<16xi1>, vector<16xi32>
        %add3A_156 = arith.constant 15 : i32
        %add3A_157 = vector.broadcast %add3A_156 : i32 to vector<16xi32>
        %add3A_158 = arith.addi %select_n3A_155, %add3A_157 : vector<16xi32>
        %gather3A_159 = tpu.vector_load_idx %arg12[%add3A_158] : memref<512xf32, #tpu.memory_space<vmem>>[vector<16xi32>], vector<16xf32>,
        %lt3A_160 = arith.cmpf olt, %gather3A_159, %get3A_33 : vector<16xf32>
        %add3A_161 = arith.constant 16 : i32
        %add3A_162 = vector.broadcast %add3A_161 : i32 to vector<16xi32>
        %add3A_163 = arith.addi %select_n3A_155, %add3A_162 : vector<16xi32>
        %select_n3A_164 = arith.select %lt3A_160, %add3A_163, %select_n3A_155 : vector<16xi1>, vector<16xi32>
        %add3A_165 = arith.constant 7 : i32
        %add3A_166 = vector.broadcast %add3A_165 : i32 to vector<16xi32>
        %add3A_167 = arith.addi %select_n3A_164, %add3A_166 : vector<16xi32>
        %gather3A_168 = tpu.vector_load_idx %arg12[%add3A_167] : memref<512xf32, #tpu.memory_space<vmem>>[vector<16xi32>], vector<16xf32>,
        %lt3A_169 = arith.cmpf olt, %gather3A_168, %get3A_33 : vector<16xf32>
        %add3A_170 = arith.constant 8 : i32
        %add3A_171 = vector.broadcast %add3A_170 : i32 to vector<16xi32>
        %add3A_172 = arith.addi %select_n3A_164, %add3A_171 : vector<16xi32>
        %select_n3A_173 = arith.select %lt3A_169, %add3A_172, %select_n3A_164 : vector<16xi1>, vector<16xi32>
        %add3A_174 = arith.constant 3 : i32
        %add3A_175 = vector.broadcast %add3A_174 : i32 to vector<16xi32>
        %add3A_176 = arith.addi %select_n3A_173, %add3A_175 : vector<16xi32>
        %gather3A_177 = tpu.vector_load_idx %arg12[%add3A_176] : memref<512xf32, #tpu.memory_space<vmem>>[vector<16xi32>], vector<16xf32>,
        %lt3A_178 = arith.cmpf olt, %gather3A_177, %get3A_33 : vector<16xf32>
        %add3A_179 = arith.constant 4 : i32
        %add3A_180 = vector.broadcast %add3A_179 : i32 to vector<16xi32>
        %add3A_181 = arith.addi %select_n3A_173, %add3A_180 : vector<16xi32>
        %select_n3A_182 = arith.select %lt3A_178, %add3A_181, %select_n3A_173 : vector<16xi1>, vector<16xi32>
        %add3A_183 = arith.constant 1 : i32
        %add3A_184 = vector.broadcast %add3A_183 : i32 to vector<16xi32>
        %add3A_185 = arith.addi %select_n3A_182, %add3A_184 : vector<16xi32>
        %gather3A_186 = tpu.vector_load_idx %arg12[%add3A_185] : memref<512xf32, #tpu.memory_space<vmem>>[vector<16xi32>], vector<16xf32>,
        %lt3A_187 = arith.cmpf olt, %gather3A_186, %get3A_33 : vector<16xf32>
        %add3A_188 = arith.constant 2 : i32
        %add3A_189 = vector.broadcast %add3A_188 : i32 to vector<16xi32>
        %add3A_190 = arith.addi %select_n3A_182, %add3A_189 : vector<16xi32>
        %select_n3A_191 = arith.select %lt3A_187, %add3A_190, %select_n3A_182 : vector<16xi1>, vector<16xi32>
        %add3A_192 = arith.constant 0 : i32
        %add3A_193 = vector.broadcast %add3A_192 : i32 to vector<16xi32>
        %add3A_194 = arith.addi %select_n3A_191, %add3A_193 : vector<16xi32>
        %gather3A_195 = tpu.vector_load_idx %arg12[%add3A_194] : memref<512xf32, #tpu.memory_space<vmem>>[vector<16xi32>], vector<16xf32>,
        %lt3A_196 = arith.cmpf olt, %gather3A_195, %get3A_33 : vector<16xf32>
        %add3A_197 = arith.constant 1 : i32
        %add3A_198 = vector.broadcast %add3A_197 : i32 to vector<16xi32>
        %add3A_199 = arith.addi %select_n3A_191, %add3A_198 : vector<16xi32>
        %select_n3A_200 = arith.select %lt3A_196, %add3A_199, %select_n3A_191 : vector<16xi1>, vector<16xi32>
        %sub3A_201 = arith.constant 1 : i32
        %sub3A_202 = vector.broadcast %sub3A_201 : i32 to vector<16xi32>
        %sub3A_203 = arith.subi %select_n3A_200, %sub3A_202 : vector<16xi32>
        %jit3A_204 = arith.constant 0 : i32
        %jit3A_205 = arith.constant 510 : i32
        %max3A_206 = vector.broadcast %jit3A_204 : i32 to vector<16xi32>
        %max3A_207 = arith.maxsi %max3A_206, %sub3A_203 : vector<16xi32>
        %min3A_208 = vector.broadcast %jit3A_205 : i32 to vector<16xi32>
        %min3A_209 = arith.minsi %min3A_208, %max3A_207 : vector<16xi32>
        %gather3A_210 = tpu.vector_load_idx %arg11[%min3A_117] : memref<512xf32, #tpu.memory_space<vmem>>[vector<16xi32>], vector<16xf32>,
        %gather3A_211 = tpu.vector_load_idx %arg12[%min3A_209] : memref<512xf32, #tpu.memory_space<vmem>>[vector<16xi32>], vector<16xf32>,
        %mul3A_212 = arith.constant 16 : i32
        %mul3A_213 = arith.muli %scan3A_27, %mul3A_212 : i32
        %mul3A_214 = arith.constant 511 : i32
        %mul3A_215 = vector.broadcast %mul3A_214 : i32 to vector<16xi32>
        %mul3A_216 = arith.muli %min3A_117, %mul3A_215 : vector<16xi32>
        %add3A_217 = arith.addi %mul3A_216, %min3A_209 : vector<16xi32>
        %swap3A = arith.index_cast %mul3A_213 : i32 to index
        %swap3A_218 = tpu.vector_load %arg14[%swap3A] {strides = array<i32>} : memref<128xi32, #tpu.memory_space<vmem>>, vector<16xi32>,
        tpu.vector_store %arg14[%swap3A], %add3A_217 {strides = array<i32>} : memref<128xi32, #tpu.memory_space<vmem>>, vector<16xi32>,
        %sub3A_219 = arith.subf %get3A_31, %gather3A_210 : vector<16xf32>
        %swap3A_220 = arith.index_cast %mul3A_213 : i32 to index
        %swap3A_221 = tpu.vector_load %arg15[%swap3A_220] {strides = array<i32>} : memref<128xf32, #tpu.memory_space<vmem>>, vector<16xf32>,
        tpu.vector_store %arg15[%swap3A_220], %sub3A_219 {strides = array<i32>} : memref<128xf32, #tpu.memory_space<vmem>>, vector<16xf32>,
        %sub3A_222 = arith.subf %get3A_33, %gather3A_211 : vector<16xf32>
        %swap3A_223 = arith.index_cast %mul3A_213 : i32 to index
        %swap3A_224 = tpu.vector_load %arg16[%swap3A_223] {strides = array<i32>} : memref<128xf32, #tpu.memory_space<vmem>>, vector<16xf32>,
        tpu.vector_store %arg16[%swap3A_223], %sub3A_222 {strides = array<i32>} : memref<128xf32, #tpu.memory_space<vmem>>, vector<16xf32>,
      }
      %scan3A_16 = arith.constant 8 : i32
      %dma_start3A = arith.constant 0 : i32
      %dma_start3A_17 = arith.constant 0 : i32
      %dma_start3A_18 = tpu.memref_slice %arg6[%dma_start3A, %dma_start3A_17] : memref<261121x48xf32, #tpu.memory_space<hbm>> -> memref<261121x48xf32, #tpu.memory_space<hbm>>
      tpu.enqueue_indirect_dma source(%dma_start3A_18 : memref<261121x48xf32, #tpu.memory_space<hbm>>) target(%arg13 : memref<128x48xf32, #tpu.memory_space<vmem>>) offsets(%arg14 : memref<128xi32, #tpu.memory_space<vmem>>) semaphore(%arg17 : memref<!tpu.dma_semaphore, #tpu.memory_space<semaphore_mem>>)
      %dma_wait3A = arith.constant 0 : i32
      %dma_wait3A_19 = arith.constant 0 : i32
      %dma_wait3A_20 = tpu.memref_slice %arg6[%dma_wait3A, %dma_wait3A_19] : memref<261121x48xf32, #tpu.memory_space<hbm>> -> memref<261121x48xf32, #tpu.memory_space<hbm>>
      tpu.wait_indirect_dma semaphore(%arg17 : memref<!tpu.dma_semaphore, #tpu.memory_space<semaphore_mem>>) src(%dma_wait3A_20 : memref<261121x48xf32, #tpu.memory_space<hbm>>) dst(%arg13 : memref<128x48xf32, #tpu.memory_space<vmem>>)
      %scan3A_21 = arith.constant 0 : i32
      %scan3A_22 = arith.constant 0 : i32
      %scan3A_23 = arith.constant 8 : i32
      %scan3A_24 = arith.addi %scan3A_22, %scan3A_23 : i32
      %scan3A_25 = arith.constant 1 : i32
      scf.for %scan3A_27 = %scan3A_22 to %scan3A_24 step %scan3A_25  : i32 {
        %mul3A_28 = arith.constant 16 : i32
        %mul3A_29 = arith.muli %scan3A_27, %mul3A_28 : i32
        %add3A_30 = vector.broadcast %mul3A_29 : i32 to vector<16xi32>
        %add3A_31 = arith.addi %iota3A, %add3A_30 : vector<16xi32>
        %get3A = arith.index_cast %mul3A_29 : i32 to index
        %get3A_32 = tpu.vector_load %arg15[%get3A] {strides = array<i32>} : memref<128xf32, #tpu.memory_space<vmem>>, vector<16xf32>,
        %get3A_33 = arith.index_cast %mul3A_29 : i32 to index
        %get3A_34 = tpu.vector_load %arg16[%get3A_33] {strides = array<i32>} : memref<128xf32, #tpu.memory_space<vmem>>, vector<16xf32>,
        %broadcast_in_dim3A = arith.constant 0.000000e+00 : f32
        %broadcast_in_dim3A_35 = vector.broadcast %broadcast_in_dim3A : f32 to vector<16xf32>
        %broadcast_in_dim3A_36 = arith.constant 0 : i32
        %broadcast_in_dim3A_37 = vector.broadcast %broadcast_in_dim3A_36 : i32 to vector<16xi32>
        %gather3A = tpu.vector_load_idx %arg13[%add3A_31, %broadcast_in_dim3A_37] : memref<128x48xf32, #tpu.memory_space<vmem>>[vector<16xi32>, vector<16xi32>], vector<16xf32>,
        %broadcast_in_dim3A_38 = arith.constant 1 : i32
        %broadcast_in_dim3A_39 = vector.broadcast %broadcast_in_dim3A_38 : i32 to vector<16xi32>
        %gather3A_40 = tpu.vector_load_idx %arg13[%add3A_31, %broadcast_in_dim3A_39] : memref<128x48xf32, #tpu.memory_space<vmem>>[vector<16xi32>, vector<16xi32>], vector<16xf32>,
        %broadcast_in_dim3A_41 = arith.constant 2 : i32
        %broadcast_in_dim3A_42 = vector.broadcast %broadcast_in_dim3A_41 : i32 to vector<16xi32>
        %gather3A_43 = tpu.vector_load_idx %arg13[%add3A_31, %broadcast_in_dim3A_42] : memref<128x48xf32, #tpu.memory_space<vmem>>[vector<16xi32>, vector<16xi32>], vector<16xf32>,
        %mul3A_44 = arith.mulf %get3A_34, %gather3A_43 : vector<16xf32>
        %add3A_45 = arith.addf %gather3A_40, %mul3A_44 : vector<16xf32>
        %mul3A_46 = arith.mulf %get3A_34, %add3A_45 : vector<16xf32>
        %add3A_47 = arith.addf %gather3A, %mul3A_46 : vector<16xf32>
        %broadcast_in_dim3A_48 = arith.constant 3 : i32
        %broadcast_in_dim3A_49 = vector.broadcast %broadcast_in_dim3A_48 : i32 to vector<16xi32>
        %gather3A_50 = tpu.vector_load_idx %arg13[%add3A_31, %broadcast_in_dim3A_49] : memref<128x48xf32, #tpu.memory_space<vmem>>[vector<16xi32>, vector<16xi32>], vector<16xf32>,
        %broadcast_in_dim3A_51 = arith.constant 4 : i32
        %broadcast_in_dim3A_52 = vector.broadcast %broadcast_in_dim3A_51 : i32 to vector<16xi32>
        %gather3A_53 = tpu.vector_load_idx %arg13[%add3A_31, %broadcast_in_dim3A_52] : memref<128x48xf32, #tpu.memory_space<vmem>>[vector<16xi32>, vector<16xi32>], vector<16xf32>,
        %broadcast_in_dim3A_54 = arith.constant 5 : i32
        %broadcast_in_dim3A_55 = vector.broadcast %broadcast_in_dim3A_54 : i32 to vector<16xi32>
        %gather3A_56 = tpu.vector_load_idx %arg13[%add3A_31, %broadcast_in_dim3A_55] : memref<128x48xf32, #tpu.memory_space<vmem>>[vector<16xi32>, vector<16xi32>], vector<16xf32>,
        %mul3A_57 = arith.mulf %get3A_34, %gather3A_56 : vector<16xf32>
        %add3A_58 = arith.addf %gather3A_53, %mul3A_57 : vector<16xf32>
        %mul3A_59 = arith.mulf %get3A_34, %add3A_58 : vector<16xf32>
        %add3A_60 = arith.addf %gather3A_50, %mul3A_59 : vector<16xf32>
        %broadcast_in_dim3A_61 = arith.constant 6 : i32
        %broadcast_in_dim3A_62 = vector.broadcast %broadcast_in_dim3A_61 : i32 to vector<16xi32>
        %gather3A_63 = tpu.vector_load_idx %arg13[%add3A_31, %broadcast_in_dim3A_62] : memref<128x48xf32, #tpu.memory_space<vmem>>[vector<16xi32>, vector<16xi32>], vector<16xf32>,
        %broadcast_in_dim3A_64 = arith.constant 7 : i32
        %broadcast_in_dim3A_65 = vector.broadcast %broadcast_in_dim3A_64 : i32 to vector<16xi32>
        %gather3A_66 = tpu.vector_load_idx %arg13[%add3A_31, %broadcast_in_dim3A_65] : memref<128x48xf32, #tpu.memory_space<vmem>>[vector<16xi32>, vector<16xi32>], vector<16xf32>,
        %broadcast_in_dim3A_67 = arith.constant 8 : i32
        %broadcast_in_dim3A_68 = vector.broadcast %broadcast_in_dim3A_67 : i32 to vector<16xi32>
        %gather3A_69 = tpu.vector_load_idx %arg13[%add3A_31, %broadcast_in_dim3A_68] : memref<128x48xf32, #tpu.memory_space<vmem>>[vector<16xi32>, vector<16xi32>], vector<16xf32>,
        %mul3A_70 = arith.mulf %get3A_34, %gather3A_69 : vector<16xf32>
        %add3A_71 = arith.addf %gather3A_66, %mul3A_70 : vector<16xf32>
        %mul3A_72 = arith.mulf %get3A_34, %add3A_71 : vector<16xf32>
        %add3A_73 = arith.addf %gather3A_63, %mul3A_72 : vector<16xf32>
        %mul3A_74 = arith.mulf %get3A_32, %add3A_73 : vector<16xf32>
        %add3A_75 = arith.addf %add3A_60, %mul3A_74 : vector<16xf32>
        %mul3A_76 = arith.mulf %get3A_32, %add3A_75 : vector<16xf32>
        %add3A_77 = arith.addf %add3A_47, %mul3A_76 : vector<16xf32>
        %mul3A_78 = arith.mulf %add3A_77, %add3A_77 : vector<16xf32>
        %add3A_79 = arith.addf %broadcast_in_dim3A_35, %mul3A_78 : vector<16xf32>
        %broadcast_in_dim3A_80 = arith.constant 9 : i32
        %broadcast_in_dim3A_81 = vector.broadcast %broadcast_in_dim3A_80 : i32 to vector<16xi32>
        %gather3A_82 = tpu.vector_load_idx %arg13[%add3A_31, %broadcast_in_dim3A_81] : memref<128x48xf32, #tpu.memory_space<vmem>>[vector<16xi32>, vector<16xi32>], vector<16xf32>,
        %broadcast_in_dim3A_83 = arith.constant 10 : i32
        %broadcast_in_dim3A_84 = vector.broadcast %broadcast_in_dim3A_83 : i32 to vector<16xi32>
        %gather3A_85 = tpu.vector_load_idx %arg13[%add3A_31, %broadcast_in_dim3A_84] : memref<128x48xf32, #tpu.memory_space<vmem>>[vector<16xi32>, vector<16xi32>], vector<16xf32>,
        %broadcast_in_dim3A_86 = arith.constant 11 : i32
        %broadcast_in_dim3A_87 = vector.broadcast %broadcast_in_dim3A_86 : i32 to vector<16xi32>
        %gather3A_88 = tpu.vector_load_idx %arg13[%add3A_31, %broadcast_in_dim3A_87] : memref<128x48xf32, #tpu.memory_space<vmem>>[vector<16xi32>, vector<16xi32>], vector<16xf32>,
        %mul3A_89 = arith.mulf %get3A_34, %gather3A_88 : vector<16xf32>
        %add3A_90 = arith.addf %gather3A_85, %mul3A_89 : vector<16xf32>
        %mul3A_91 = arith.mulf %get3A_34, %add3A_90 : vector<16xf32>
        %add3A_92 = arith.addf %gather3A_82, %mul3A_91 : vector<16xf32>
        %broadcast_in_dim3A_93 = arith.constant 12 : i32
        %broadcast_in_dim3A_94 = vector.broadcast %broadcast_in_dim3A_93 : i32 to vector<16xi32>
        %gather3A_95 = tpu.vector_load_idx %arg13[%add3A_31, %broadcast_in_dim3A_94] : memref<128x48xf32, #tpu.memory_space<vmem>>[vector<16xi32>, vector<16xi32>], vector<16xf32>,
        %broadcast_in_dim3A_96 = arith.constant 13 : i32
        %broadcast_in_dim3A_97 = vector.broadcast %broadcast_in_dim3A_96 : i32 to vector<16xi32>
        %gather3A_98 = tpu.vector_load_idx %arg13[%add3A_31, %broadcast_in_dim3A_97] : memref<128x48xf32, #tpu.memory_space<vmem>>[vector<16xi32>, vector<16xi32>], vector<16xf32>,
        %broadcast_in_dim3A_99 = arith.constant 14 : i32
        %broadcast_in_dim3A_100 = vector.broadcast %broadcast_in_dim3A_99 : i32 to vector<16xi32>
        %gather3A_101 = tpu.vector_load_idx %arg13[%add3A_31, %broadcast_in_dim3A_100] : memref<128x48xf32, #tpu.memory_space<vmem>>[vector<16xi32>, vector<16xi32>], vector<16xf32>,
        %mul3A_102 = arith.mulf %get3A_34, %gather3A_101 : vector<16xf32>
        %add3A_103 = arith.addf %gather3A_98, %mul3A_102 : vector<16xf32>
        %mul3A_104 = arith.mulf %get3A_34, %add3A_103 : vector<16xf32>
        %add3A_105 = arith.addf %gather3A_95, %mul3A_104 : vector<16xf32>
        %broadcast_in_dim3A_106 = arith.constant 15 : i32
        %broadcast_in_dim3A_107 = vector.broadcast %broadcast_in_dim3A_106 : i32 to vector<16xi32>
        %gather3A_108 = tpu.vector_load_idx %arg13[%add3A_31, %broadcast_in_dim3A_107] : memref<128x48xf32, #tpu.memory_space<vmem>>[vector<16xi32>, vector<16xi32>], vector<16xf32>,
        %broadcast_in_dim3A_109 = arith.constant 16 : i32
        %broadcast_in_dim3A_110 = vector.broadcast %broadcast_in_dim3A_109 : i32 to vector<16xi32>
        %gather3A_111 = tpu.vector_load_idx %arg13[%add3A_31, %broadcast_in_dim3A_110] : memref<128x48xf32, #tpu.memory_space<vmem>>[vector<16xi32>, vector<16xi32>], vector<16xf32>,
        %broadcast_in_dim3A_112 = arith.constant 17 : i32
        %broadcast_in_dim3A_113 = vector.broadcast %broadcast_in_dim3A_112 : i32 to vector<16xi32>
        %gather3A_114 = tpu.vector_load_idx %arg13[%add3A_31, %broadcast_in_dim3A_113] : memref<128x48xf32, #tpu.memory_space<vmem>>[vector<16xi32>, vector<16xi32>], vector<16xf32>,
        %mul3A_115 = arith.mulf %get3A_34, %gather3A_114 : vector<16xf32>
        %add3A_116 = arith.addf %gather3A_111, %mul3A_115 : vector<16xf32>
        %mul3A_117 = arith.mulf %get3A_34, %add3A_116 : vector<16xf32>
        %add3A_118 = arith.addf %gather3A_108, %mul3A_117 : vector<16xf32>
        %mul3A_119 = arith.mulf %get3A_32, %add3A_118 : vector<16xf32>
        %add3A_120 = arith.addf %add3A_105, %mul3A_119 : vector<16xf32>
        %mul3A_121 = arith.mulf %get3A_32, %add3A_120 : vector<16xf32>
        %add3A_122 = arith.addf %add3A_92, %mul3A_121 : vector<16xf32>
        %mul3A_123 = arith.mulf %add3A_122, %add3A_122 : vector<16xf32>
        %add3A_124 = arith.addf %add3A_79, %mul3A_123 : vector<16xf32>
        %broadcast_in_dim3A_125 = arith.constant 18 : i32
        %broadcast_in_dim3A_126 = vector.broadcast %broadcast_in_dim3A_125 : i32 to vector<16xi32>
        %gather3A_127 = tpu.vector_load_idx %arg13[%add3A_31, %broadcast_in_dim3A_126] : memref<128x48xf32, #tpu.memory_space<vmem>>[vector<16xi32>, vector<16xi32>], vector<16xf32>,
        %broadcast_in_dim3A_128 = arith.constant 19 : i32
        %broadcast_in_dim3A_129 = vector.broadcast %broadcast_in_dim3A_128 : i32 to vector<16xi32>
        %gather3A_130 = tpu.vector_load_idx %arg13[%add3A_31, %broadcast_in_dim3A_129] : memref<128x48xf32, #tpu.memory_space<vmem>>[vector<16xi32>, vector<16xi32>], vector<16xf32>,
        %broadcast_in_dim3A_131 = arith.constant 20 : i32
        %broadcast_in_dim3A_132 = vector.broadcast %broadcast_in_dim3A_131 : i32 to vector<16xi32>
        %gather3A_133 = tpu.vector_load_idx %arg13[%add3A_31, %broadcast_in_dim3A_132] : memref<128x48xf32, #tpu.memory_space<vmem>>[vector<16xi32>, vector<16xi32>], vector<16xf32>,
        %mul3A_134 = arith.mulf %get3A_34, %gather3A_133 : vector<16xf32>
        %add3A_135 = arith.addf %gather3A_130, %mul3A_134 : vector<16xf32>
        %mul3A_136 = arith.mulf %get3A_34, %add3A_135 : vector<16xf32>
        %add3A_137 = arith.addf %gather3A_127, %mul3A_136 : vector<16xf32>
        %broadcast_in_dim3A_138 = arith.constant 21 : i32
        %broadcast_in_dim3A_139 = vector.broadcast %broadcast_in_dim3A_138 : i32 to vector<16xi32>
        %gather3A_140 = tpu.vector_load_idx %arg13[%add3A_31, %broadcast_in_dim3A_139] : memref<128x48xf32, #tpu.memory_space<vmem>>[vector<16xi32>, vector<16xi32>], vector<16xf32>,
        %broadcast_in_dim3A_141 = arith.constant 22 : i32
        %broadcast_in_dim3A_142 = vector.broadcast %broadcast_in_dim3A_141 : i32 to vector<16xi32>
        %gather3A_143 = tpu.vector_load_idx %arg13[%add3A_31, %broadcast_in_dim3A_142] : memref<128x48xf32, #tpu.memory_space<vmem>>[vector<16xi32>, vector<16xi32>], vector<16xf32>,
        %broadcast_in_dim3A_144 = arith.constant 23 : i32
        %broadcast_in_dim3A_145 = vector.broadcast %broadcast_in_dim3A_144 : i32 to vector<16xi32>
        %gather3A_146 = tpu.vector_load_idx %arg13[%add3A_31, %broadcast_in_dim3A_145] : memref<128x48xf32, #tpu.memory_space<vmem>>[vector<16xi32>, vector<16xi32>], vector<16xf32>,
        %mul3A_147 = arith.mulf %get3A_34, %gather3A_146 : vector<16xf32>
        %add3A_148 = arith.addf %gather3A_143, %mul3A_147 : vector<16xf32>
        %mul3A_149 = arith.mulf %get3A_34, %add3A_148 : vector<16xf32>
        %add3A_150 = arith.addf %gather3A_140, %mul3A_149 : vector<16xf32>
        %broadcast_in_dim3A_151 = arith.constant 24 : i32
        %broadcast_in_dim3A_152 = vector.broadcast %broadcast_in_dim3A_151 : i32 to vector<16xi32>
        %gather3A_153 = tpu.vector_load_idx %arg13[%add3A_31, %broadcast_in_dim3A_152] : memref<128x48xf32, #tpu.memory_space<vmem>>[vector<16xi32>, vector<16xi32>], vector<16xf32>,
        %broadcast_in_dim3A_154 = arith.constant 25 : i32
        %broadcast_in_dim3A_155 = vector.broadcast %broadcast_in_dim3A_154 : i32 to vector<16xi32>
        %gather3A_156 = tpu.vector_load_idx %arg13[%add3A_31, %broadcast_in_dim3A_155] : memref<128x48xf32, #tpu.memory_space<vmem>>[vector<16xi32>, vector<16xi32>], vector<16xf32>,
        %broadcast_in_dim3A_157 = arith.constant 26 : i32
        %broadcast_in_dim3A_158 = vector.broadcast %broadcast_in_dim3A_157 : i32 to vector<16xi32>
        %gather3A_159 = tpu.vector_load_idx %arg13[%add3A_31, %broadcast_in_dim3A_158] : memref<128x48xf32, #tpu.memory_space<vmem>>[vector<16xi32>, vector<16xi32>], vector<16xf32>,
        %mul3A_160 = arith.mulf %get3A_34, %gather3A_159 : vector<16xf32>
        %add3A_161 = arith.addf %gather3A_156, %mul3A_160 : vector<16xf32>
        %mul3A_162 = arith.mulf %get3A_34, %add3A_161 : vector<16xf32>
        %add3A_163 = arith.addf %gather3A_153, %mul3A_162 : vector<16xf32>
        %mul3A_164 = arith.mulf %get3A_32, %add3A_163 : vector<16xf32>
        %add3A_165 = arith.addf %add3A_150, %mul3A_164 : vector<16xf32>
        %mul3A_166 = arith.mulf %get3A_32, %add3A_165 : vector<16xf32>
        %add3A_167 = arith.addf %add3A_137, %mul3A_166 : vector<16xf32>
        %mul3A_168 = arith.mulf %add3A_167, %add3A_167 : vector<16xf32>
        %add3A_169 = arith.addf %add3A_124, %mul3A_168 : vector<16xf32>
        %broadcast_in_dim3A_170 = arith.constant 27 : i32
        %broadcast_in_dim3A_171 = vector.broadcast %broadcast_in_dim3A_170 : i32 to vector<16xi32>
        %gather3A_172 = tpu.vector_load_idx %arg13[%add3A_31, %broadcast_in_dim3A_171] : memref<128x48xf32, #tpu.memory_space<vmem>>[vector<16xi32>, vector<16xi32>], vector<16xf32>,
        %broadcast_in_dim3A_173 = arith.constant 28 : i32
        %broadcast_in_dim3A_174 = vector.broadcast %broadcast_in_dim3A_173 : i32 to vector<16xi32>
        %gather3A_175 = tpu.vector_load_idx %arg13[%add3A_31, %broadcast_in_dim3A_174] : memref<128x48xf32, #tpu.memory_space<vmem>>[vector<16xi32>, vector<16xi32>], vector<16xf32>,
        %broadcast_in_dim3A_176 = arith.constant 29 : i32
        %broadcast_in_dim3A_177 = vector.broadcast %broadcast_in_dim3A_176 : i32 to vector<16xi32>
        %gather3A_178 = tpu.vector_load_idx %arg13[%add3A_31, %broadcast_in_dim3A_177] : memref<128x48xf32, #tpu.memory_space<vmem>>[vector<16xi32>, vector<16xi32>], vector<16xf32>,
        %mul3A_179 = arith.mulf %get3A_34, %gather3A_178 : vector<16xf32>
        %add3A_180 = arith.addf %gather3A_175, %mul3A_179 : vector<16xf32>
        %mul3A_181 = arith.mulf %get3A_34, %add3A_180 : vector<16xf32>
        %add3A_182 = arith.addf %gather3A_172, %mul3A_181 : vector<16xf32>
        %broadcast_in_dim3A_183 = arith.constant 30 : i32
        %broadcast_in_dim3A_184 = vector.broadcast %broadcast_in_dim3A_183 : i32 to vector<16xi32>
        %gather3A_185 = tpu.vector_load_idx %arg13[%add3A_31, %broadcast_in_dim3A_184] : memref<128x48xf32, #tpu.memory_space<vmem>>[vector<16xi32>, vector<16xi32>], vector<16xf32>,
        %broadcast_in_dim3A_186 = arith.constant 31 : i32
        %broadcast_in_dim3A_187 = vector.broadcast %broadcast_in_dim3A_186 : i32 to vector<16xi32>
        %gather3A_188 = tpu.vector_load_idx %arg13[%add3A_31, %broadcast_in_dim3A_187] : memref<128x48xf32, #tpu.memory_space<vmem>>[vector<16xi32>, vector<16xi32>], vector<16xf32>,
        %broadcast_in_dim3A_189 = arith.constant 32 : i32
        %broadcast_in_dim3A_190 = vector.broadcast %broadcast_in_dim3A_189 : i32 to vector<16xi32>
        %gather3A_191 = tpu.vector_load_idx %arg13[%add3A_31, %broadcast_in_dim3A_190] : memref<128x48xf32, #tpu.memory_space<vmem>>[vector<16xi32>, vector<16xi32>], vector<16xf32>,
        %mul3A_192 = arith.mulf %get3A_34, %gather3A_191 : vector<16xf32>
        %add3A_193 = arith.addf %gather3A_188, %mul3A_192 : vector<16xf32>
        %mul3A_194 = arith.mulf %get3A_34, %add3A_193 : vector<16xf32>
        %add3A_195 = arith.addf %gather3A_185, %mul3A_194 : vector<16xf32>
        %broadcast_in_dim3A_196 = arith.constant 33 : i32
        %broadcast_in_dim3A_197 = vector.broadcast %broadcast_in_dim3A_196 : i32 to vector<16xi32>
        %gather3A_198 = tpu.vector_load_idx %arg13[%add3A_31, %broadcast_in_dim3A_197] : memref<128x48xf32, #tpu.memory_space<vmem>>[vector<16xi32>, vector<16xi32>], vector<16xf32>,
        %broadcast_in_dim3A_199 = arith.constant 34 : i32
        %broadcast_in_dim3A_200 = vector.broadcast %broadcast_in_dim3A_199 : i32 to vector<16xi32>
        %gather3A_201 = tpu.vector_load_idx %arg13[%add3A_31, %broadcast_in_dim3A_200] : memref<128x48xf32, #tpu.memory_space<vmem>>[vector<16xi32>, vector<16xi32>], vector<16xf32>,
        %broadcast_in_dim3A_202 = arith.constant 35 : i32
        %broadcast_in_dim3A_203 = vector.broadcast %broadcast_in_dim3A_202 : i32 to vector<16xi32>
        %gather3A_204 = tpu.vector_load_idx %arg13[%add3A_31, %broadcast_in_dim3A_203] : memref<128x48xf32, #tpu.memory_space<vmem>>[vector<16xi32>, vector<16xi32>], vector<16xf32>,
        %mul3A_205 = arith.mulf %get3A_34, %gather3A_204 : vector<16xf32>
        %add3A_206 = arith.addf %gather3A_201, %mul3A_205 : vector<16xf32>
        %mul3A_207 = arith.mulf %get3A_34, %add3A_206 : vector<16xf32>
        %add3A_208 = arith.addf %gather3A_198, %mul3A_207 : vector<16xf32>
        %mul3A_209 = arith.mulf %get3A_32, %add3A_208 : vector<16xf32>
        %add3A_210 = arith.addf %add3A_195, %mul3A_209 : vector<16xf32>
        %mul3A_211 = arith.mulf %get3A_32, %add3A_210 : vector<16xf32>
        %add3A_212 = arith.addf %add3A_182, %mul3A_211 : vector<16xf32>
        %mul3A_213 = arith.mulf %add3A_212, %add3A_212 : vector<16xf32>
        %add3A_214 = arith.addf %add3A_169, %mul3A_213 : vector<16xf32>
        %max3A = arith.constant 9.99999935E-39 : f32
        %max3A_215 = vector.broadcast %max3A : f32 to vector<16xf32>
        %max3A_216 = arith.maximumf %add3A_214, %max3A_215 : vector<16xf32>
        %lt3A = arith.constant 1.17549435E-38 : f32
        %lt3A_217 = vector.broadcast %lt3A : f32 to vector<16xf32>
        %lt3A_218 = arith.cmpf olt, %max3A_216, %lt3A_217 : vector<16xf32>
        %mul3A_219 = arith.constant 1.84467441E+19 : f32
        %mul3A_220 = vector.broadcast %mul3A_219 : f32 to vector<16xf32>
        %mul3A_221 = arith.mulf %max3A_216, %mul3A_220 : vector<16xf32>
        %select_n3A = arith.select %lt3A_218, %mul3A_221, %max3A_216 : vector<16xi1>, vector<16xf32>
        %bitcast_convert_type3A = tpu.bitcast %select_n3A : vector<16xf32> -> vector<16xi32>
        %shift_right_arithmetic3A = arith.constant 23 : i32
        %shift_right_arithmetic3A_222 = vector.broadcast %shift_right_arithmetic3A : i32 to vector<16xi32>
        %shift_right_arithmetic3A_223 = arith.shrsi %bitcast_convert_type3A, %shift_right_arithmetic3A_222 : vector<16xi32>
        %sub3A = arith.constant 127 : i32
        %sub3A_224 = vector.broadcast %sub3A : i32 to vector<16xi32>
        %sub3A_225 = arith.subi %shift_right_arithmetic3A_223, %sub3A_224 : vector<16xi32>
        %and3A = arith.constant 8388607 : i32
        %and3A_226 = vector.broadcast %and3A : i32 to vector<16xi32>
        %and3A_227 = arith.andi %bitcast_convert_type3A, %and3A_226 : vector<16xi32>
        %or3A = arith.constant 1065353216 : i32
        %or3A_228 = vector.broadcast %or3A : i32 to vector<16xi32>
        %or3A_229 = arith.ori %and3A_227, %or3A_228 : vector<16xi32>
        %bitcast_convert_type3A_230 = tpu.bitcast %or3A_229 : vector<16xi32> -> vector<16xf32>
        %gt3A = arith.constant 1.41421354 : f32
        %gt3A_231 = vector.broadcast %gt3A : f32 to vector<16xf32>
        %gt3A_232 = arith.cmpf ogt, %bitcast_convert_type3A_230, %gt3A_231 : vector<16xf32>
        %mul3A_233 = arith.constant 5.000000e-01 : f32
        %mul3A_234 = vector.broadcast %mul3A_233 : f32 to vector<16xf32>
        %mul3A_235 = arith.mulf %bitcast_convert_type3A_230, %mul3A_234 : vector<16xf32>
        %select_n3A_236 = arith.select %gt3A_232, %mul3A_235, %bitcast_convert_type3A_230 : vector<16xi1>, vector<16xf32>
        %add3A_237 = arith.constant 1 : i32
        %add3A_238 = vector.broadcast %add3A_237 : i32 to vector<16xi32>
        %add3A_239 = arith.addi %sub3A_225, %add3A_238 : vector<16xi32>
        %select_n3A_240 = arith.select %gt3A_232, %add3A_239, %sub3A_225 : vector<16xi1>, vector<16xi32>
        %sub3A_241 = arith.constant 1.000000e+00 : f32
        %sub3A_242 = vector.broadcast %sub3A_241 : f32 to vector<16xf32>
        %sub3A_243 = arith.subf %select_n3A_236, %sub3A_242 : vector<16xf32>
        %add3A_244 = arith.constant 1.000000e+00 : f32
        %add3A_245 = vector.broadcast %add3A_244 : f32 to vector<16xf32>
        %add3A_246 = arith.addf %select_n3A_236, %add3A_245 : vector<16xf32>
        %div3A = arith.divf %sub3A_243, %add3A_246 : vector<16xf32>
        %mul3A_247 = arith.mulf %div3A, %div3A : vector<16xf32>
        %mul3A_248 = arith.constant 0.285714298 : f32
        %mul3A_249 = vector.broadcast %mul3A_248 : f32 to vector<16xf32>
        %mul3A_250 = arith.mulf %mul3A_247, %mul3A_249 : vector<16xf32>
        %add3A_251 = arith.constant 4.000000e-01 : f32
        %add3A_252 = vector.broadcast %add3A_251 : f32 to vector<16xf32>
        %add3A_253 = arith.addf %add3A_252, %mul3A_250 : vector<16xf32>
        %mul3A_254 = arith.mulf %mul3A_247, %add3A_253 : vector<16xf32>
        %add3A_255 = arith.constant 0.666666686 : f32
        %add3A_256 = vector.broadcast %add3A_255 : f32 to vector<16xf32>
        %add3A_257 = arith.addf %add3A_256, %mul3A_254 : vector<16xf32>
        %mul3A_258 = arith.mulf %mul3A_247, %add3A_257 : vector<16xf32>
        %add3A_259 = arith.constant 2.000000e+00 : f32
        %add3A_260 = vector.broadcast %add3A_259 : f32 to vector<16xf32>
        %add3A_261 = arith.addf %add3A_260, %mul3A_258 : vector<16xf32>
        %mul3A_262 = arith.mulf %div3A, %add3A_261 : vector<16xf32>
        %convert_element_type3A = arith.sitofp %select_n3A_240 : vector<16xi32> to vector<16xf32>
        %jit3A = arith.constant 6.400000e+01 : f32
        %jit3A_263 = arith.constant 0.000000e+00 : f32
        %broadcast_in_dim3A_264 = vector.broadcast %jit3A : f32 to vector<16xf32>
        %broadcast_in_dim3A_265 = vector.broadcast %jit3A_263 : f32 to vector<16xf32>
        %select_n3A_266 = arith.select %lt3A_218, %broadcast_in_dim3A_264, %broadcast_in_dim3A_265 : vector<16xi1>, vector<16xf32>
        %sub3A_267 = arith.subf %convert_element_type3A, %select_n3A_266 : vector<16xf32>
        %mul3A_268 = arith.constant 0.693147182 : f32
        %mul3A_269 = vector.broadcast %mul3A_268 : f32 to vector<16xf32>
        %mul3A_270 = arith.mulf %sub3A_267, %mul3A_269 : vector<16xf32>
        %add3A_271 = arith.addf %mul3A_270, %mul3A_262 : vector<16xf32>
        %add3A_272 = arith.addi %mul3A_10, %mul3A_29 : i32
        %swap3A = arith.index_cast %add3A_272 : i32 to index
        %swap3A_273 = tpu.vector_load %arg10[%swap3A] {strides = array<i32>} : memref<15744xf32, #tpu.memory_space<vmem>>, vector<16xf32>,
        tpu.vector_store %arg10[%swap3A], %add3A_271 {strides = array<i32>} : memref<15744xf32, #tpu.memory_space<vmem>>, vector<16xf32>,
      }
      %scan3A_26 = arith.constant 8 : i32
    }
    %scan3A_7 = arith.constant 123 : i32
    "tpu.region"() ({
      %run_scoped3A = tpu.sem_alloc : memref<!tpu.dma_semaphore, #tpu.memory_space<semaphore_mem>>
      %dma_start3A = tpu.memref_slice %arg7[%mul3A_2] : memref<503808xf32, #tpu.memory_space<hbm>> -> memref<15744xf32, #tpu.memory_space<hbm>>
      %dma_start3A_8 = tpu.memref_slice %arg7[%mul3A_2] : memref<503808xf32, #tpu.memory_space<hbm>> -> memref<15744xf32, #tpu.memory_space<hbm>>
      tpu.enqueue_dma source(%arg10 : memref<15744xf32, #tpu.memory_space<vmem>>) target(%dma_start3A_8 : memref<15744xf32, #tpu.memory_space<hbm>>) target_semaphore(%run_scoped3A : memref<!tpu.dma_semaphore, #tpu.memory_space<semaphore_mem>>)
      %dma_wait3A = tpu.memref_slice %arg7[%mul3A_2] : memref<503808xf32, #tpu.memory_space<hbm>> -> memref<15744xf32, #tpu.memory_space<hbm>>
      %dma_wait3A_9 = tpu.memref_slice %arg7[%mul3A_2] : memref<503808xf32, #tpu.memory_space<hbm>> -> memref<15744xf32, #tpu.memory_space<hbm>>
      tpu.wait_dma2 semaphore(%run_scoped3A : memref<!tpu.dma_semaphore, #tpu.memory_space<semaphore_mem>>) src(%arg10 : memref<15744xf32, #tpu.memory_space<vmem>>) dst(%dma_wait3A_9 : memref<15744xf32, #tpu.memory_space<hbm>>)
      tpu.yield
    }) : () -> ()
    return
  }
}

</mosaic_0001>

<sc_bundles>
// kernel: _sc_call.3.cloned.1.call-start
scs
__scs_entry_jumppad:
0x0: {  	(pc) =	sbr.rel $0x88, $3  }
0x1: {  	(tag) =	ssettag $0x0;
	lr =	simm.s32 $0x1  }
0x2: {  	[smem:$0x3F9C] =	sst lr;
	_ =	strace $0xD0000000  }
0x3: {  	_ = 	snop  }
0x4: {  	_ = 	snop  }
0x5: {  	_ = 	snop  }
0x6: {  	_ = 	snop  }
0x7: {  	_ = 	snop  }
__scs_overlays_trampoline_lowered:
0x8: {  	[smem:$0x3FAB] =	sst s0  }
0x9: {  	[smem:$0x3FAC] =	sst s1  }
0xa: {  	[smem:$0x3FAD] =	sst s2  }
0xb: {  	[smem:$0x3FAE] =	sst s3  }
0xc: {  	[smem:$0x3FAF] =	sst s4  }
0xd: {  	[smem:$0x3FB0] =	sst s5  }
0xe: {  	[smem:$0x3FB1] =	sst s6  }
0xf: {  	[smem:$0x3FB2] =	sst s7  }
0x10: {  	[smem:$0x3FB3] =	sst s8  }
0x11: {  	[smem:$0x3FB4] =	sst s9;
	s0 =	simm.s32 @!p0 $0x0  }
0x12: {  	s1 =	sld [smem:$0x3F9A];
	s0 =	simm.s32 @p0 $0x1  }
0x13: {  	[smem:$0x3FB5] =	sst s0;
	s0 =	simm.s32 @!p1 $0x0  }
0x14: {  	s2 =	sld [smem:$0x3F99];
	s0 =	simm.s32 @p1 $0x1  }
0x15: {  	[smem:$0x3FB6] =	sst s0;
	s0 =	simm.s32 @!p2 $0x0  }
0x16: {  	s3 =	sld [smem:$0x3FDB];
	s0 =	simm.s32 @p2 $0x1  }
0x17: {  	s4 =	simm.s32 $0x1BF5;
	[smem:$0x3FB8] =	sst s0  }
0x18: {  	s0 =	sld [smem:$0x3F9B];
	_ =	swait.ge [sflag:s4], $0x0  }
0x19: {  	s7 =	sld [smem:$0x3F9C]  }
0x1a: {  	s8 =	sadd.s32 $0xFFFFE003, lr  }
0x1b: {  	s9 =	sadd.s32 $0xFFFFFEF7, lr;
	s5 =	simm.s32 $0xFFFFFFFF;
	p2 =	slt.u32 s8, $0xFFFFF086  }
0x1c: {  	p1 =	slt.u32 s9, $0xF7A;
	s5 =	simm.s32 @!p2 $0x0  }
0x1d: {  	s5 =	simm.s32 @p1 $0x1;
	p0 =	seq.s32 s7, s2  }
0x1e: {  	s7 =	smul.u32 @!p0 $0xF7A, s2;
	p2 =	seq.s32 @!p0 s5, $0x0  }
0x1f: {  	s9 =	smul.u32 $0xF7A, s1;
	s8 =	simm.s32 @!p0 $0x1BF5;
	p2 =	por !p2, p0  }
0x20: {  	[sflag:s8] =	ssyncset.s32 @!p0 $0xFFFFF086;
	s6 =	sadd.s32 @!p0 s3, s7;
	s7 =	simm.s32 @!p0 $0x108  }
0x21: {  	s3 =	sadd.s32 s3, s9;
	s6 =	sadd.s32 @!p0 $0x88, s6;
	s7 =	simm.s32 @p2 $0x1082  }
0x22: {  	[simem:s7], [sflag:s8] =	dma.local @!p0 [hbm:s6], $0xF7A  }
0x23: {  	s9 =	sor.u32 $0xD0000000, s2;
	s6 =	simm.s32 $0x108;
	_ =	swait.ge @!p0 [sflag:s8], $0x0  }
0x24: {  	s3 =	sadd.s32 $0x88, s3;
	s6 =	simm.s32 @!p1 $0x1082;
	[sflag:s4] =	ssyncset.s32 $0xFFFFF086  }
0x25: {  	[simem:s6], [sflag:s4] =	dma.local [hbm:s3], $0xF7A  }
0x26: {  	[smem:$0x3F9C] =	sst s1;
	(tag) =	ssettag s2;
	_ =	strace s9  }
0x27: {  	s1 =	sld [smem:$0x3FAC]  }
0x28: {  	s2 =	sld [smem:$0x3FAD]  }
0x29: {  	s4 =	sld [smem:$0x3FAF]  }
0x2a: {  	p0 =	seq.s32 s5, $0x0;
	s5 =	sld [smem:$0x3FB0]  }
0x2b: {  	s6 =	sld [smem:$0x3FB1]  }
0x2c: {  	s7 =	sld [smem:$0x3FB2]  }
0x2d: {  	s3 =	simm.s32 $0x108;
	s8 =	sld [smem:$0x3FB3]  }
0x2e: {  	s3 =	simm.s32 @!p0 $0x1082;
	s9 =	sld [smem:$0x3FB4]  }
0x2f: {  	lr =	sadd.s32 s0, s3;
	s0 =	sld [smem:$0x3FAB]  }
0x30: {  	s3 =	sld [smem:$0x3FAE]  }
0x31: {  	[smem:$0x3FB7] =	sst s10  }
0x32: {  	s10 =	sld [smem:$0x3FB5];
	_ =	sdelay $0x3  }
0x33: {  	p0 =	seq.s32 s10, $0x1;
	s10 =	sld [smem:$0x3FB7];
	_ =	sdelay $0x3  }
0x34: {  	[smem:$0x3FB7] =	sst s10  }
0x35: {  	s10 =	sld [smem:$0x3FB6];
	_ =	sdelay $0x3  }
0x36: {  	p1 =	seq.s32 s10, $0x1;
	s10 =	sld [smem:$0x3FB7];
	_ =	sdelay $0x3  }
0x37: {  	[smem:$0x3FB7] =	sst s10  }
0x38: {  	s10 =	sld [smem:$0x3FB8]  }
0x39: {  	_ = 	snop;
	(pc) =	sbr.ind lr, $3  }
0x3a: {  	_ = 	snop  }
0x3b: {  	_ = 	snop  }
0x3c: {  	p2 =	seq.s32 s10, $0x1;
	s10 =	sld [smem:$0x3FB7]  }
0x3d: {  	_ =	shalt  }
0x3e: {  	_ =	shalt  }
0x3f: {  	_ =	shalt  }
0x40: {  	_ =	shalt  }
0x41: {  	_ =	shalt  }
0x42: {  	_ =	shalt  }
0x43: {  	_ =	shalt  }
0x44: {  	_ =	shalt  }
0x45: {  	_ =	shalt  }
0x46: {  	_ =	shalt  }
0x47: {  	_ =	shalt  }
0x48: {  	_ =	shalt  }
0x49: {  	_ =	shalt  }
0x4a: {  	_ =	shalt  }
0x4b: {  	_ =	shalt  }
0x4c: {  	_ =	shalt  }
0x4d: {  	_ =	shalt  }
0x4e: {  	_ =	shalt  }
0x4f: {  	_ =	shalt  }
0x50: {  	_ =	shalt  }
0x51: {  	_ =	shalt  }
0x52: {  	_ =	shalt  }
0x53: {  	_ =	shalt  }
0x54: {  	_ =	shalt  }
0x55: {  	_ =	shalt  }
0x56: {  	_ =	shalt  }
0x57: {  	_ =	shalt  }
0x58: {  	_ =	shalt  }
0x59: {  	_ =	shalt  }
0x5a: {  	_ =	shalt  }
0x5b: {  	_ =	shalt  }
0x5c: {  	_ =	shalt  }
0x5d: {  	_ =	shalt  }
0x5e: {  	_ =	shalt  }
0x5f: {  	_ =	shalt  }
0x60: {  	_ =	shalt  }
0x61: {  	_ =	shalt  }
0x62: {  	_ =	shalt  }
0x63: {  	_ =	shalt  }
0x64: {  	_ =	shalt  }
0x65: {  	_ =	shalt  }
0x66: {  	_ =	shalt  }
0x67: {  	_ =	shalt  }
0x68: {  	_ =	shalt  }
0x69: {  	_ =	shalt  }
0x6a: {  	_ =	shalt  }
0x6b: {  	_ =	shalt  }
0x6c: {  	_ =	shalt  }
0x6d: {  	_ =	shalt  }
0x6e: {  	_ =	shalt  }
0x6f: {  	_ =	shalt  }
0x70: {  	_ =	shalt  }
0x71: {  	_ =	shalt  }
0x72: {  	_ =	shalt  }
0x73: {  	_ =	shalt  }
0x74: {  	_ =	shalt  }
0x75: {  	_ =	shalt  }
0x76: {  	_ =	shalt  }
0x77: {  	_ =	shalt  }
0x78: {  	_ =	shalt  }
0x79: {  	_ =	shalt  }
0x7a: {  	_ =	shalt  }
0x7b: {  	_ =	shalt  }
0x7c: {  	_ =	shalt  }
0x7d: {  	_ =	shalt  }
0x7e: {  	_ =	shalt  }
0x7f: {  	_ =	shalt  }
0x80: {  	_ =	shalt  }
0x81: {  	_ =	shalt  }
0x82: {  	_ =	shalt  }
0x83: {  	_ =	shalt  }
0x84: {  	_ =	shalt  }
0x85: {  	_ =	shalt  }
0x86: {  	_ =	shalt  }
0x87: {  	_ =	shalt  }
.Lfunc_end0:
.L_simem_size_0:
called_computation_lowered:
.L_overlay_start_0:
0x88: {  	s2 =	sld [smem:$0x3FD9]  }
0x89: {  	s3 =	sld [smem:$0x3FFE];
	_ =	sdelay $0x1  }
0x8a: {  	s1 =	srdreg.scid  }
0x8b: {  	s0 =	sand.u32 $0x1, s1  }
0x8c: {  	s17 =	sshll.u32 s0, $0xA;
	s2 =	sadd.s32 s3, s2  }
0x8d: {  	s2 =	sadd.s32 s2, s17  }
0x8e: {  	[smem:$0x3FC3] =	sst s2  }
0x8f: {  	_ = 	snop  }
0x90: {  	s2 =	sld [smem:$0x3FC9]  }
0x91: {  	s18 =	sld [smem:$0x3FC8]  }
0x92: {  	s4 =	sld [smem:$0x3FC7]  }
0x93: {  	s5 =	sld [smem:$0x3FC6]  }
0x94: {  	s6 =	sld [smem:$0x3FD0];
	(tm) =	ssettm $0x1  }
0x95: {  	s7 =	sld [smem:$0x3FFB];
	_ =	sdelay $0x3  }
0x96: {  	_ =	strace s7  }
0x97: {  	s7 =	sld [smem:$0x3FFC];
	_ =	sdelay $0x3  }
0x98: {  	_ =	strace s7  }
0x99: {  	s7 =	sld [smem:$0x3FFD];
	_ =	sdelay $0x3  }
0x9a: {  	_ =	strace s7  }
0x9b: {  	_ =	strace $0x8FFFFFFF  }
0x9c: {  	s19 =	sld [smem:$0x3FDB];
	_ =	sdelay $0x1  }
0x9d: {  	s8 =	simm.s32 $_scs_section_size  }
0x9e: {  	s9 =	simm.s32 $_size__tile_overlayer_lowered;
	s10 =	simm.s32 $_tile_overlayer_lowered  }
0x9f: {  	s22 =	simm.s32 $0x1BFF;
	s21 =	sshll.u32 s10, $0x1;
	s7 =	sadd.s32 s8, s19  }
0xa0: {  	s11 =	simm.s32 $0x0;
	s20 =	sshll.u32 s9, $0x1;
	s9 =	sadd.s32 s21, s7  }
0xa1: {  	[timem:s11], [sflag:s22] =	dma.local [hbm:s9], s20  }
0xa2: {  	_ =	swait.ge [sflag:s22], s20  }
0xa3: {  	s8 =	ssub.s32 $0x0, s20;
	[sflag:s22] =	ssyncset.done $0x0  }
0xa4: {  	[sflag:s22] =	ssyncadd.s32 s8;
	_ =	sdelay $0x1  }
0xa5: {  	s23 =	simm.s32 $0x1B8B  }
0xa6: {  	_ =	swait.ge [sflag:s23], $0x1  }
0xa7: {  	[sflag:s23] =	ssyncset.done $0x0  }
0xa8: {  	s25 =	simm.s32 $0x1B8E;
	s24 =	sld [smem:$0x3FFE];
	[sflag:s23] =	ssyncadd.s32 $0xFFFFFFFF  }
0xa9: {  	s26 =	simm.s32 $execute0_lowered;
	[smem:$0x3FD2] =	sst s25  }
0xaa: {  	s9 =	sshll.u32 s26, $0x1;
	_ =	strace $0x80000046;
	[dreg:$0x1] =	wrdreg $0xFFFFFFFF  }
0xab: {  	s28 =	simm.s32 $_size_execute0_lowered;
	s7 =	sadd.s32 s7, s9;
	[dreg:$0x0] =	wrdreg $0x0  }
0xac: {  	s9 =	sshll.u32 s28, $0x1;
	[dreg:$0x2] =	wrdreg s7  }
0xad: {  	[dreg:$0x3] =	wrdreg s9  }
0xae: {  	[dreg:$0x4] =	wrdreg $0xC0  }
0xaf: {  	_ =	task [dreg:s11], $0x5FFFF  }
0xb0: {  	[dreg:$0x1] =	wrdreg $0xFFFFFFFF  }
0xb1: {  	[dreg:$0x0] =	wrdreg $0x60  }
0xb2: {  	[dreg:$0x2] =	wrdreg s2  }
0xb3: {  	[dreg:$0x3] =	wrdreg s18  }
0xb4: {  	[dreg:$0x4] =	wrdreg s4  }
0xb5: {  	[dreg:$0x5] =	wrdreg s5  }
0xb6: {  	[dreg:$0x6] =	wrdreg s24  }
0xb7: {  	[dreg:$0x7] =	wrdreg s6  }
0xb8: {  	[dreg:$0x8] =	wrdreg $0x9  }
0xb9: {  	_ =	task.clear_ibuf [dreg:s11], $0x9FFFF;
	_ =	strace $0x90000046  }
0xba: {  	s29 =	simm.s32 $0x9;
	_ =	strace $0x80000048  }
0xbb: {  	_ =	swait.ge [sflag:s29], $0x1  }
0xbc: {  	[sflag:s29] =	ssyncadd.s32 $0xFFFFFFFF  }
0xbd: {  	_ =	strace $0x90000048  }
0xbe: {  	_ =	sfence  }
0xbf: {  	s30 =	sld [smem:$0x0];
	_ =	sdelay $0x2  }
0xc0: {  	s31 =	sshll.u32 s1, $0xD;
	s1 =	sshrl.u32 s1, $0x2  }
0xc1: {  	s3 =	sand.u32 $0x4000, s31;
	s1 =	sadd.s32 s1, s30  }
0xc2: {  	s0 =	sor.u32 s3, s0;
	s1 =	sshll.u32 s1, $0x11  }
0xc3: {  	s0 =	sor.u32 s1, s0  }
0xc4: {  	s0 =	sadd.s32 $0x8F2B, s0  }
0xc5: {  	[sflag:s0] =	ssyncadd.remote.s32 $0x1  }
0xc6: {  	_ =	sfence.sel $0xFFFF  }
0xc7: {  	[dreg:$0x0] =	wrdreg $0xFFFFFFFF;
	(pc) =	sbr.abs _section_cstart, $3  }
0xc8: {  	[dreg:$0x1] =	wrdreg $0xFFFFFFFF  }
0xc9: {  	_ =	task.clear_ibuf [dreg:s11], $0x2FFFF;
	_ =	strace $0x9FFFFFFF  }
0xca: {  	(tm) =	ssettm $0x7FFFFFFF  }
0xcb: {  	_ =	shalt  }
tec
execute0_lowered:
.L_overlay_start_1:
0x0: {  	(tag) =	ssettag $0x1  }
0x1: {  	s6 =	rddreg [dreg:$0x0]  }
0x2: {  	s7 =	rddreg [dreg:$0x1]  }
0x3: {  	v0 =	vlaneseq.u32;
	s0 =	rddreg [dreg:$0x2]  }
0x4: {  	s1 =	rddreg [dreg:$0x3];
	v0 =	vmul.u32 $0x30, v0  }
0x5: {  	v1 =	vimm.s32 $0xFF;
	v2 =	vimm.s32 $0x0;
	s5 =	rddreg [dreg:$0x4];
	v37 =	vimm.s32 $0xFFFFFF81  }
0x6: {  	s8 =	rddreg [dreg:$0x5];
	s4 =	simm.s32 $0x0;
	v14 =	vimm.f32 $0.0e+00;
	v3 =	vor.u32 $0x1, v0;
	v16 =	vor.u32 $0x2, v0  }
0x7: {  	s3 =	srdreg.scid;
	[smem:$0x7FF] =	sst s4;
	v38 =	vor.u32 $0x3, v0;
	v15 =	vor.u32 $0x4, v0;
	v11 =	vadd.s32 $0x1D, v0  }
0x8: {  	s9 =	sand.u32 $0x1, s3;
	s3 =	rddreg [dreg:$0x6];
	_ =	strace $0x80000047;
	v4 =	vor.u32 $0x5, v0;
	v17 =	vor.u32 $0x6, v0;
	v18 =	vadd.s32 $0x1F, v0;
	[tilespmem:$0x1FF60] =	vst v11  }
0x9: {  	v10 =	vor.u32 $0x7, v0;
	v7 =	vor.u32 $0x8, v0;
	v25 =	vadd.s32 $0x21, v0;
	[tilespmem:$0x1FF70] =	vst v18  }
0xa: {  	v20 =	vor.u32 $0x9, v0;
	v21 =	vor.u32 $0xA, v0;
	v28 =	vadd.s32 $0x23, v0;
	[tilespmem:$0x1FF80] =	vst v25  }
0xb: {  	s2 =	stileid.u32;
	s12 =	simm.s32 $0xBA80;
	s13 =	simm.s32 $0x80;
	v22 =	vor.u32 $0xB, v0;
	v23 =	vor.u32 $0xC, v0;
	v19 =	vadd.s32 $0x20, v0;
	[tilespmem:$0x1FF90] =	vst v28  }
0xc: {  	s14 =	simm.s32 $0xD480;
	s15 =	simm.s32 $0xBC80;
	s10 =	sshll.u32 s2, $0x1;
	v24 =	vor.u32 $0xD, v0;
	v5 =	vor.u32 $0xE, v0;
	v27 =	vadd.s32 $0x22, v0;
	[tilespmem:$0x1FFA0] =	vst v19  }
0xd: {  	s16 =	simm.s32 $0x1;
	s10 =	sor.u32 s9, s10;
	s9 =	ssub.s32 $0x2, s9;
	v26 =	vor.u32 $0xF, v0;
	v39 =	vadd.s32 $0x10, v0;
	v9 =	vadd.s32 $0x11, v0;
	[tilespmem:$0x1FFB0] =	vst v27  }
0xe: {  	s17 =	simm.s32 $0x7B00;
	s10 =	smul.u32 $0x7B0, s10;
	v29 =	vadd.s32 $0x12, v0;
	v30 =	vadd.s32 $0x13, v0;
	s11 =	sshrl.u32 s9, $0x1;
	v31 =	vadd.s32 $0x14, v0;
	[tilespmem:$0x1FFC0] =	vst v3  }
0xf: {  	s18 =	simm.s32 $0x0;
	s5 =	sadd.s32 $0x3FC600, s5;
	v32 =	vadd.s32 $0x15, v0;
	v33 =	vadd.s32 $0x16, v0;
	v8 =	vadd.s32 $0x1C, v0;
	s9 =	ssub.s32 s9, s11;
	[tilespmem:$0x1FFD0] =	vst v16  }
0x10: {  	v34 =	vadd.s32 $0x17, v0;
	v35 =	vadd.s32 $0x18, v0;
	v36 =	vadd.s32 $0x19, v0;
	s11 =	simm.s32 $0xB880;
	[tilespmem:$0x1FFE0] =	vst v8;
	s6 =	sadd.s32 s6, s10;
	s7 =	sadd.s32 s7, s10  }
0x11: {  	v6 =	vadd.s32 $0x1A, v0;
	v12 =	vadd.s32 $0x1B, v0;
	v13 =	vadd.s32 $0x1E, v0;
	[tilespmem:$0x1FFF0] =	vst v38;
	s8 =	sadd.s32 s8, s10;
	s9 =	smax.u32 s9, $0x1;
	s10 =	simm.s32 $0x2  }
.LBB2_1:
0x12: {  	[tilespmem:s4], [sflag:$0x2] =	stream.linear.gather [hbm4b:s6+s4], $0x3D80, $0x38;
	[tilespmem:$0xD600] =	vst v63  }
0x13: {  	_ =	swait.ge [sflag:s10], $0x3D80  }
0x14: {  	[sflag:s10] =	ssyncset.done $0x0  }
0x15: {  	s19 =	simm.s32 $0x3D80;
	[sflag:s10] =	ssyncadd.s32 $0xFFFFC280  }
0x16: {  	[tilespmem:s19], [sflag:$0x2] =	stream.linear.gather [hbm4b:s7+s4], $0x3D80, $0x38;
	[tilespmem:$0xD600] =	vst v63  }
0x17: {  	_ =	swait.ge [sflag:s10], $0x3D80  }
0x18: {  	[sflag:s10] =	ssyncset.done $0x0  }
0x19: {  	[sflag:s10] =	ssyncadd.s32 $0xFFFFC280  }
0x1a: {  	[tilespmem:s11], [sflag:$0x2] =	stream.linear.gather [hbm4b:s0+s4], $0x200, $0x38;
	[tilespmem:$0xD600] =	vst v63  }
0x1b: {  	_ =	swait.ge [sflag:s10], $0x200  }
0x1c: {  	[sflag:s10] =	ssyncset.done $0x0  }
0x1d: {  	[sflag:s10] =	ssyncadd.s32 $0xFFFFFE00  }
0x1e: {  	[tilespmem:s12], [sflag:$0x2] =	stream.linear.gather [hbm4b:s1+s4], $0x200, $0x38;
	[tilespmem:$0xD600] =	vst v63  }
0x1f: {  	_ =	swait.ge [sflag:s10], $0x200  }
0x20: {  	s20 =	simm.s32 $0x7B00;
	[sflag:s10] =	ssyncset.done $0x0  }
0x21: {  	s21 =	simm.s32 $0x0;
	s22 =	simm.s32 $0x0;
	[sflag:s10] =	ssyncadd.s32 $0xFFFFFE00  }
.LBB2_2:
0x22: {  	v40 =	vmov s21  }
0x23: {  	v41 =	vmov s19  }
0x24: {  	s23 =	simm.s32 $0x0  }
.LBB2_3:
0x25: {  	v44 =	vld.idx.msk [tilespmem:v1+s11+$0x0], $0xffff  }
0x26: {  	s24 =	sshra.s32 s23, $0x2;
	v45 =	vld.idx.msk [tilespmem:v1+s12+$0x0], $0xffff  }
0x27: {  	v42 =	vld.idx.msk [tilespmem:v40+s24+$0x0 ss:$0x1], $0xffff  }
0x28: {  	v43 =	vld.idx.msk [tilespmem:v41+s24+$0x0 ss:$0x1], $0xffff;
	_ =	sdelay $0x3  }
0x29: {  	vm0 =	vlt.f32 v44, v42  }
0x2a: {  	vm11 =	vlt.f32 v45, v43;
	v44 =	vsel vm0, $0x100, v2  }
0x2b: {  	v46 =	vsel vm11, $0x100, v2;
	v60 =	vor.u32 $0x7F, v44  }
0x2c: {  	v47 =	vor.u32 $0x7F, v46;
	_ =	sdelay $0x3  }
0x2d: {  	v45 =	vld.idx.msk [tilespmem:v60+s11+$0x0], $0xffff  }
0x2e: {  	v47 =	vld.idx.msk [tilespmem:v47+s12+$0x0], $0xffff;
	_ =	sdelay $0x3  }
0x2f: {  	v61 =	vor.u32 $0x80, v44;
	vm12 =	vlt.f32 v45, v42  }
0x30: {  	v62 =	vor.u32 $0x80, v46;
	vm13 =	vlt.f32 v47, v43;
	v44 =	vsel vm12, v61, v44  }
0x31: {  	v45 =	vsel vm13, v62, v46;
	v63 =	vor.u32 $0x3F, v44  }
0x32: {  	v46 =	vor.u32 $0x3F, v45;
	_ =	sdelay $0x3  }
0x33: {  	v47 =	vld.idx.msk [tilespmem:v63+s11+$0x0], $0xffff  }
0x34: {  	v46 =	vld.idx.msk [tilespmem:v46+s12+$0x0], $0xffff;
	_ =	sdelay $0x3  }
0x35: {  	v38 =	vor.u32 $0x40, v44;
	vm14 =	vlt.f32 v47, v42  }
0x36: {  	v48 =	vor.u32 $0x40, v45;
	vm15 =	vlt.f32 v46, v43;
	v44 =	vsel vm14, v38, v44  }
0x37: {  	v45 =	vsel vm15, v48, v45;
	v47 =	vor.u32 $0x1F, v44  }
0x38: {  	v46 =	vor.u32 $0x1F, v45;
	_ =	sdelay $0x3  }
0x39: {  	v47 =	vld.idx.msk [tilespmem:v47+s11+$0x0], $0xffff  }
0x3a: {  	v46 =	vld.idx.msk [tilespmem:v46+s12+$0x0], $0xffff;
	_ =	sdelay $0x3  }
0x3b: {  	v49 =	vor.u32 $0x20, v44;
	vm4 =	vlt.f32 v47, v42  }
0x3c: {  	v50 =	vor.u32 $0x20, v45;
	vm5 =	vlt.f32 v46, v43;
	v44 =	vsel vm4, v49, v44  }
0x3d: {  	v45 =	vsel vm5, v50, v45;
	v47 =	vadd.s32 $0xF, v44  }
0x3e: {  	v46 =	vadd.s32 $0xF, v45;
	_ =	sdelay $0x3  }
0x3f: {  	v47 =	vld.idx.msk [tilespmem:v47+s11+$0x0], $0xffff  }
0x40: {  	v46 =	vld.idx.msk [tilespmem:v46+s12+$0x0], $0xffff;
	_ =	sdelay $0x3  }
0x41: {  	v51 =	vadd.s32 $0x10, v44;
	vm6 =	vlt.f32 v47, v42  }
0x42: {  	v52 =	vadd.s32 $0x10, v45;
	vm7 =	vlt.f32 v46, v43;
	v44 =	vsel vm6, v51, v44  }
0x43: {  	v45 =	vsel vm7, v52, v45;
	v47 =	vadd.s32 $0x7, v44  }
0x44: {  	v46 =	vadd.s32 $0x7, v45;
	_ =	sdelay $0x3  }
0x45: {  	v47 =	vld.idx.msk [tilespmem:v47+s11+$0x0], $0xffff  }
0x46: {  	v46 =	vld.idx.msk [tilespmem:v46+s12+$0x0], $0xffff;
	_ =	sdelay $0x3  }
0x47: {  	v53 =	vadd.s32 $0x8, v44;
	vm8 =	vlt.f32 v47, v42  }
0x48: {  	v54 =	vadd.s32 $0x8, v45;
	vm9 =	vlt.f32 v46, v43;
	v44 =	vsel vm8, v53, v44  }
0x49: {  	v45 =	vsel vm9, v54, v45;
	v47 =	vadd.s32 $0x3, v44  }
0x4a: {  	v46 =	vadd.s32 $0x3, v45;
	_ =	sdelay $0x3  }
0x4b: {  	v47 =	vld.idx.msk [tilespmem:v47+s11+$0x0], $0xffff  }
0x4c: {  	v46 =	vld.idx.msk [tilespmem:v46+s12+$0x0], $0xffff;
	_ =	sdelay $0x3  }
0x4d: {  	v55 =	vadd.s32 $0x4, v44;
	vm10 =	vlt.f32 v47, v42  }
0x4e: {  	v56 =	vadd.s32 $0x4, v45;
	vm11 =	vlt.f32 v46, v43;
	v44 =	vsel vm10, v55, v44  }
0x4f: {  	v45 =	vsel vm11, v56, v45;
	v47 =	vadd.s32 $0x1, v44  }
0x50: {  	v46 =	vadd.s32 $0x1, v45;
	_ =	sdelay $0x3  }
0x51: {  	v47 =	vld.idx.msk [tilespmem:v47+s11+$0x0], $0xffff  }
0x52: {  	v46 =	vld.idx.msk [tilespmem:v46+s12+$0x0], $0xffff;
	_ =	sdelay $0x3  }
0x53: {  	v57 =	vadd.s32 $0x2, v44;
	vm12 =	vlt.f32 v47, v42  }
0x54: {  	v58 =	vadd.s32 $0x2, v45;
	vm13 =	vlt.f32 v46, v43;
	v44 =	vsel vm12, v57, v44  }
0x55: {  	v45 =	vsel vm13, v58, v45;
	_ =	sdelay $0x3  }
0x56: {  	v59 =	vld.idx.msk [tilespmem:v44+s11+$0x0], $0xffff  }
0x57: {  	v60 =	vld.idx.msk [tilespmem:v45+s12+$0x0], $0xffff;
	_ =	sdelay $0x3  }
0x58: {  	vm14 =	vlt.f32 v59, v42  }
0x59: {  	vm15 =	vlt.f32 v60, v43;
	v46 =	vsel vm14, $0x1, v2  }
0x5a: {  	v61 =	vsel vm15, $0x1, v2;
	v44 =	vadd.s32 v46, v44  }
0x5b: {  	v45 =	vadd.s32 v61, v45;
	v44 =	vmax.u32 v44, $0x1  }
0x5c: {  	v45 =	vmax.u32 v45, $0x1;
	v44 =	vmin.u32 v44, $0x1FF  }
0x5d: {  	v45 =	vmin.u32 v45, $0x1FF;
	v44 =	vadd.s32 $0xFFFFFFFF, v44  }
0x5e: {  	v45 =	vadd.s32 $0xFFFFFFFF, v45;
	_ =	sdelay $0x3  }
0x5f: {  	v62 =	vld.idx.msk [tilespmem:v44+s11+$0x0], $0xffff  }
0x60: {  	v63 =	vld.idx.msk [tilespmem:v45+s12+$0x0], $0xffff;
	_ =	sdelay $0x1  }
0x61: {  	p0 =	sne.s32 s23, $0x1C0;
	v44 =	vmul.u32 $0x1FF, v44  }
.Ltmp0:
0x62: {  	_ = 	snop;
	(pc) =	sbr.rel @p0 .LBB2_3-.Ltmp0, $4  }
0x63: {  	v44 =	vadd.s32 v44, v45;
	v42 =	vsub.f32 v42, v62  }
0x64: {  	[tilespmem:s24+$0xD480] =	vst v44;
	v43 =	vsub.f32 v43, v63  }
0x65: {  	[tilespmem:s24+$0xD500] =	vst v42  }
0x66: {  	s23 =	sadd.s32 $0x40, s23;
	[tilespmem:s24+$0xD580] =	vst v43  }
0x67: {  	s23 =	simm.s32 $0x0  }
0x68: {  	v40 =	vmov s23  }
0x69: {  	v40 =	vmul.u32 $0x30, v40;
	_ =	sdelay $0x1  }
0x6a: {  	v40 =	vbroadcast v40, $0x0;
	_ =	sdelay $0x1  }
0x6b: {  	[tilespmem:s15], [sflag:$0x1] =	stream.indirect.gather [hbm4b:s5+s13], $0x30, s14, s13, $0xb8;
	v41 =	vadd.s32 v8, v40;
	[tilespmem:$0xD600] =	vst v63  }
0x6c: {  	_ =	swait.ge [sflag:s16], $0x1800;
	v42 =	vadd.s32 v0, v40  }
0x6d: {  	[sflag:s16] =	ssyncset.done $0x0;
	v43 =	vadd.s32 v25, v40  }
0x6e: {  	s23 =	simm.s32 $0xD580;
	[sflag:s16] =	ssyncadd.s32 $0xFFFFE800;
	v44 =	vadd.s32 v11, v40  }
0x6f: {  	v60 =	vld [tilespmem:s23+$0x0];
	v45 =	vadd.s32 v30, v40  }
0x70: {  	v46 =	vadd.s32 v18, v40;
	v1 =	vld.idx.msk [tilespmem:v41+s15+$0x0], $0xffff  }
0x71: {  	v47 =	vadd.s32 v31, v40;
	v62 =	vld.idx.msk [tilespmem:v42+s15+$0x0], $0xffff  }
0x72: {  	v48 =	vadd.s32 v21, v40;
	v2 =	vld.idx.msk [tilespmem:v43+s15+$0x0], $0xffff  }
0x73: {  	v49 =	vadd.s32 v3, v40;
	v44 =	vld.idx.msk [tilespmem:v44+s15+$0x0], $0xffff  }
0x74: {  	v50 =	vadd.s32 v27, v40;
	v45 =	vld.idx.msk [tilespmem:v45+s15+$0x0], $0xffff  }
0x75: {  	v51 =	vadd.s32 v19, v40;
	v46 =	vld.idx.msk [tilespmem:v46+s15+$0x0], $0xffff  }
0x76: {  	v52 =	vadd.s32 v33, v40;
	v47 =	vld.idx.msk [tilespmem:v47+s15+$0x0], $0xffff  }
0x77: {  	v53 =	vadd.s32 v22, v40;
	v48 =	vld.idx.msk [tilespmem:v48+s15+$0x0], $0xffff  }
0x78: {  	v54 =	vadd.s32 v16, v40;
	v49 =	vld.idx.msk [tilespmem:v49+s15+$0x0], $0xffff  }
0x79: {  	v55 =	vadd.s32 v28, v40;
	v50 =	vld.idx.msk [tilespmem:v50+s15+$0x0], $0xffff  }
0x7a: {  	v56 =	vadd.s32 v34, v40;
	v51 =	vld.idx.msk [tilespmem:v51+s15+$0x0], $0xffff  }
0x7b: {  	v57 =	vadd.s32 v15, v40;
	v52 =	vld.idx.msk [tilespmem:v52+s15+$0x0], $0xffff  }
0x7c: {  	v58 =	vadd.s32 v6, v40;
	v53 =	vld.idx.msk [tilespmem:v53+s15+$0x0], $0xffff  }
0x7d: {  	v59 =	vadd.s32 v4, v40;
	v54 =	vld.idx.msk [tilespmem:v54+s15+$0x0], $0xffff  }
0x7e: {  	v61 =	vadd.s32 v5, v40;
	v55 =	vld.idx.msk [tilespmem:v55+s15+$0x0], $0xffff  }
0x7f: {  	v56 =	vld.idx.msk [tilespmem:v56+s15+$0x0], $0xffff  }
0x80: {  	v63 =	vadd.s32 v9, v40;
	v57 =	vld.idx.msk [tilespmem:v57+s15+$0x0], $0xffff  }
0x81: {  	v58 =	vld.idx.msk [tilespmem:v58+s15+$0x0], $0xffff  }
0x82: {  	v59 =	vld.idx.msk [tilespmem:v59+s15+$0x0], $0xffff;
	v41 =	vadd.s32 v39, v40  }
0x83: {  	v42 =	vadd.s32 v24, v40;
	v61 =	vld.idx.msk [tilespmem:v61+s15+$0x0], $0xffff;
	[tilespmem:$0x1FF30] =	vst v1  }
0x84: {  	v43 =	vadd.s32 v36, v40;
	v38 =	vld [tilespmem:$0x1FF30]  }
0x85: {  	v63 =	vld.idx.msk [tilespmem:v63+s15+$0x0], $0xffff;
	v44 =	vmul.f32 v44, v60  }
0x86: {  	[tilespmem:$0x1FF40] =	vst v62;
	v62 =	vadd.s32 v7, v40;
	v54 =	vmul.f32 v54, v60;
	v47 =	vmul.f32 v47, v60  }
0x87: {  	v1 =	vadd.s32 v10, v40;
	v53 =	vmul.f32 v53, v60;
	v51 =	vmul.f32 v51, v60;
	v41 =	vld.idx.msk [tilespmem:v41+s15+$0x0], $0xffff  }
0x88: {  	v56 =	vmul.f32 v56, v60;
	v42 =	vld.idx.msk [tilespmem:v42+s15+$0x0], $0xffff;
	v55 =	vmul.f32 v55, v60  }
0x89: {  	v43 =	vld.idx.msk [tilespmem:v43+s15+$0x0], $0xffff;
	v49 =	vadd.f32 v54, v49;
	v54 =	vadd.s32 v17, v40;
	v44 =	vadd.f32 v44, v38  }
0x8a: {  	v59 =	vmul.f32 v59, v60;
	v45 =	vadd.f32 v47, v45;
	v47 =	vadd.s32 v23, v40;
	v38 =	vld [tilespmem:$0x1FFF0]  }
0x8b: {  	v61 =	vmul.f32 v61, v60;
	v62 =	vld.idx.msk [tilespmem:v62+s15+$0x0], $0xffff;
	[tilespmem:$0x1FF50] =	vst v44;
	v44 =	vadd.s32 v26, v40  }
0x8c: {  	v46 =	vadd.f32 v51, v46;
	v51 =	vadd.s32 v35, v40;
	v52 =	vadd.f32 v56, v52;
	v1 =	vld.idx.msk [tilespmem:v1+s15+$0x0], $0xffff  }
0x8d: {  	v56 =	vadd.f32 v59, v57;
	v59 =	vadd.s32 v13, v40;
	v42 =	vadd.f32 v61, v42;
	v61 =	vld [tilespmem:$0x1FF40]  }
0x8e: {  	v48 =	vadd.f32 v53, v48;
	v54 =	vld.idx.msk [tilespmem:v54+s15+$0x0], $0xffff  }
0x8f: {  	v50 =	vadd.f32 v55, v50;
	v55 =	vmul.f32 v63, v60;
	v47 =	vld.idx.msk [tilespmem:v47+s15+$0x0], $0xffff;
	v53 =	vadd.s32 v38, v40  }
0x90: {  	v57 =	vadd.s32 v32, v40;
	v49 =	vmul.f32 v49, v60;
	v44 =	vld.idx.msk [tilespmem:v44+s15+$0x0], $0xffff  }
0x91: {  	v41 =	vadd.f32 v55, v41;
	v55 =	vadd.s32 v20, v40;
	v51 =	vld.idx.msk [tilespmem:v51+s15+$0x0], $0xffff;
	v62 =	vmul.f32 v62, v60  }
0x92: {  	s24 =	simm.s32 $0xD500;
	v58 =	vmul.f32 v58, v60;
	v63 =	vmul.f32 v56, v60;
	v56 =	vld.idx.msk [tilespmem:v59+s15+$0x0], $0xffff  }
0x93: {  	v41 =	vmul.f32 v41, v60;
	v49 =	vadd.f32 v49, v61;
	v61 =	vld [tilespmem:s24+$0x0];
	v1 =	vadd.f32 v62, v1  }
0x94: {  	v50 =	vmul.f32 v50, v60;
	v43 =	vadd.f32 v58, v43;
	v58 =	vadd.s32 v29, v40;
	v53 =	vld.idx.msk [tilespmem:v53+s15+$0x0], $0xffff  }
0x95: {  	v42 =	vmul.f32 v42, v60;
	v1 =	vmul.f32 v1, v60;
	v41 =	vadd.f32 v41, v44;
	v44 =	vld.idx.msk [tilespmem:v57+s15+$0x0], $0xffff  }
0x96: {  	v46 =	vmul.f32 v46, v60;
	v43 =	vmul.f32 v43, v60;
	v59 =	vld.idx.msk [tilespmem:v55+s15+$0x0], $0xffff;
	v55 =	vadd.f32 v50, v2  }
0x97: {  	v40 =	vadd.s32 v12, v40;
	v42 =	vadd.f32 v42, v47;
	v1 =	vadd.f32 v1, v54  }
0x98: {  	v62 =	vmul.f32 v52, v60;
	v43 =	vadd.f32 v43, v51;
	v41 =	vmul.f32 v41, v61  }
0x99: {  	v46 =	vadd.f32 v46, v56;
	v1 =	vmul.f32 v1, v61;
	v53 =	vadd.f32 v63, v53;
	v63 =	vld.idx.msk [tilespmem:v58+s15+$0x0], $0xffff  }
0x9a: {  	v48 =	vmul.f32 v48, v60;
	v41 =	vadd.f32 v41, v42;
	v44 =	vadd.f32 v62, v44;
	v62 =	vld [tilespmem:$0x1FF50]  }
0x9b: {  	v47 =	vmul.f32 v55, v61;
	v57 =	vmul.f32 v43, v61;
	v1 =	vadd.f32 v1, v53  }
0x9c: {  	v45 =	vmul.f32 v45, v60;
	v40 =	vld.idx.msk [tilespmem:v40+s15+$0x0], $0xffff;
	v58 =	vadd.f32 v48, v59;
	v41 =	vmul.f32 v41, v61  }
0x9d: {  	v46 =	vadd.f32 v47, v46;
	v1 =	vmul.f32 v1, v61;
	v42 =	vadd.f32 v57, v44  }
0x9e: {  	v59 =	vadd.f32 v45, v63;
	v41 =	vadd.f32 v41, v58  }
0x9f: {  	v1 =	vadd.f32 v1, v49;
	v42 =	vmul.f32 v42, v61;
	v63 =	vmul.f32 v62, v60  }
0xa0: {  	v47 =	vmul.f32 v46, v61;
	v41 =	vmul.f32 v41, v41  }
0xa1: {  	v1 =	vmul.f32 v1, v1;
	v42 =	vadd.f32 v42, v59;
	v40 =	vadd.f32 v63, v40;
	_ =	sdelay $0x1  }
0xa2: {  	v1 =	vadd.f32 v41, v1;
	v48 =	vmul.f32 v42, v42;
	v40 =	vadd.f32 v47, v40;
	_ =	sdelay $0x1  }
0xa3: {  	v1 =	vadd.f32 v48, v1;
	v40 =	vmul.f32 v40, v40;
	_ =	sdelay $0x1  }
0xa4: {  	v1 =	vadd.f32 v40, v1;
	_ =	sdelay $0x1  }
0xa5: {  	v1 =	vmax.f32 v1, $9.999999350e-39  }
0xa6: {  	v49 =	vmul.f32 $1.844674410e+19, v1  }
0xa7: {  	vm0 =	vlt.f32 v1, $1.175494350e-38  }
0xa8: {  	v1 =	vsel vm0, v49, v1  }
0xa9: {  	v40 =	vand.u32 $0x7FFFFF, v1  }
0xaa: {  	v40 =	vor.u32 $0x3F800000, v40  }
0xab: {  	v50 =	vmul.f32 $5.000000000e-01, v40  }
0xac: {  	vm1 =	vgt.f32 v40, $1.414213540e+00  }
0xad: {  	v40 =	vsel vm1, v50, v40  }
0xae: {  	v41 =	vadd.f32 $1.000000000e+00, v40;
	_ =	sdelay $0x1  }
0xaf: {  	(erf) = vrcp.f32 v41;
	_ =	sdelay $0x7  }
0xb0: {  	v40 =	vadd.f32 $-1.000000000e+00, v40  }
0xb1: {  	v41 =	vpop (erf)  }
0xb2: {  	v40 =	vmul.f32 v41, v40;
	_ =	sdelay $0x1  }
0xb3: {  	v41 =	vmul.f32 v40, v40;
	_ =	sdelay $0x1  }
0xb4: {  	v51 =	vmul.f32 $2.857142980e-01, v41;
	_ =	sdelay $0x1  }
0xb5: {  	v42 =	vadd.f32 $4.000000060e-01, v51;
	_ =	sdelay $0x1  }
0xb6: {  	v42 =	vmul.f32 v42, v41;
	_ =	sdelay $0x1  }
0xb7: {  	s25 =	simm.s32 $0x10;
	v1 =	vshra.s32 v1, $0x17;
	v52 =	vsel vm1, $0xFFFFFF82, v37;
	v42 =	vadd.f32 $6.666666860e-01, v42  }
0xb8: {  	v53 =	vmov s25;
	v1 =	vadd.s32 v1, v52  }
0xb9: {  	v54 =	vmul.u32 $0x30, v53;
	v1 =	vcvt.s32.f32 v1;
	v41 =	vmul.f32 v42, v41  }
0xba: {  	v55 =	vsel vm0, $0x42800000, v14  }
0xbb: {  	v44 =	vbroadcast v54, $0x0;
	v1 =	vsub.f32 v1, v55;
	v41 =	vadd.f32 $2.000000000e+00, v41;
	_ =	sdelay $0x1  }
0xbc: {  	v56 =	vadd.s32 v8, v44;
	v1 =	vmul.f32 $6.931471820e-01, v1;
	v40 =	vmul.f32 v41, v40  }
0xbd: {  	v57 =	vadd.s32 v0, v44  }
0xbe: {  	v43 =	vadd.s32 v25, v44;
	v1 =	vadd.f32 v40, v1  }
0xbf: {  	v58 =	vadd.s32 v11, v44  }
0xc0: {  	v59 =	vadd.s32 v32, v44;
	[tilespmem:s20+$0x0] =	vst v1  }
0xc1: {  	v60 =	vadd.s32 v30, v44;
	v45 =	vld.idx.msk [tilespmem:v56+s15+$0x0], $0xffff  }
0xc2: {  	v61 =	vadd.s32 v18, v44;
	v42 =	vld.idx.msk [tilespmem:v57+s15+$0x0], $0xffff  }
0xc3: {  	v62 =	vadd.s32 v31, v44;
	v40 =	vld.idx.msk [tilespmem:v43+s15+$0x0], $0xffff  }
0xc4: {  	v63 =	vadd.s32 v23, v44;
	v51 =	vld.idx.msk [tilespmem:v58+s15+$0x0], $0xffff  }
0xc5: {  	v37 =	vadd.s32 v21, v44;
	v41 =	vld.idx.msk [tilespmem:v59+s15+$0x0], $0xffff  }
0xc6: {  	v2 =	vadd.s32 v33, v44;
	v47 =	vld.idx.msk [tilespmem:v60+s15+$0x0], $0xffff  }
0xc7: {  	v57 =	vadd.s32 v3, v44;
	v46 =	vld.idx.msk [tilespmem:v61+s15+$0x0], $0xffff  }
0xc8: {  	v58 =	vadd.s32 v27, v44;
	v53 =	vld.idx.msk [tilespmem:v62+s15+$0x0], $0xffff  }
0xc9: {  	v59 =	vadd.s32 v19, v44;
	v43 =	vld.idx.msk [tilespmem:v63+s15+$0x0], $0xffff  }
0xca: {  	v49 =	vld.idx.msk [tilespmem:v37+s15+$0x0], $0xffff;
	v37 =	vadd.s32 v22, v44  }
0xcb: {  	v50 =	vld.idx.msk [tilespmem:v2+s15+$0x0], $0xffff  }
0xcc: {  	v52 =	vld.idx.msk [tilespmem:v57+s15+$0x0], $0xffff  }
0xcd: {  	v48 =	vld.idx.msk [tilespmem:v58+s15+$0x0], $0xffff  }
0xce: {  	v11 =	vmov v0;
	v14 =	vmov v38;
	v54 =	vld.idx.msk [tilespmem:v59+s15+$0x0], $0xffff;
	v59 =	vadd.s32 v16, v44  }
0xcf: {  	s26 =	simm.s32 $0x20;
	s25 =	smov.u32 s20;
	v56 =	vadd.s32 v34, v44;
	v58 =	vadd.s32 v28, v44;
	v57 =	vadd.s32 v15, v44;
	v55 =	vld.idx.msk [tilespmem:v37+s15+$0x0], $0xffff  }
.LBB2_5:
0xd0: {  	_ =	sdelay $0x2  }
0xd1: {  	v1 =	vld.idx.msk [tilespmem:v59+s15+$0x0], $0xffff;
	v59 =	vadd.s32 v6, v44  }
0xd2: {  	v60 =	vadd.s32 v4, v44;
	v58 =	vld.idx.msk [tilespmem:v58+s15+$0x0], $0xffff  }
0xd3: {  	v61 =	vadd.s32 v5, v44;
	v56 =	vld.idx.msk [tilespmem:v56+s15+$0x0], $0xffff  }
0xd4: {  	v57 =	vld.idx.msk [tilespmem:v57+s15+$0x0], $0xffff;
	v62 =	vadd.s32 v7, v44;
	s23 =	sadd.s32 $0x10, s23  }
0xd5: {  	v2 =	vadd.s32 v9, v44;
	v38 =	vadd.s32 v10, v44;
	v27 =	vmov v39;
	v63 =	vld [tilespmem:s23+$0x0]  }
0xd6: {  	v39 =	vadd.s32 v39, v44;
	v0 =	vadd.s32 v12, v44;
	v3 =	vadd.s32 v20, v44;
	v59 =	vld.idx.msk [tilespmem:v59+s15+$0x0], $0xffff  }
0xd7: {  	v16 =	vmovc v4;
	v4 =	vadd.s32 v24, v44;
	v25 =	vmov v5;
	v5 =	vadd.s32 v29, v44;
	v60 =	vld.idx.msk [tilespmem:v60+s15+$0x0], $0xffff  }
0xd8: {  	v37 =	vmovc v6;
	v6 =	vadd.s32 v14, v44;
	v19 =	vmov v7;
	v7 =	vadd.s32 v36, v44;
	v61 =	vld.idx.msk [tilespmem:v61+s15+$0x0], $0xffff  }
0xd9: {  	v8 =	vadd.s32 v13, v44;
	v28 =	vmov v9;
	v9 =	vadd.s32 v26, v44;
	v62 =	vld.idx.msk [tilespmem:v62+s15+$0x0], $0xffff  }
0xda: {  	v18 =	vmov v10;
	v2 =	vld.idx.msk [tilespmem:v2+s15+$0x0], $0xffff;
	v53 =	vmul.f32 v53, v63;
	v51 =	vmul.f32 v51, v63  }
0xdb: {  	v10 =	vadd.s32 v17, v44;
	v38 =	vld.idx.msk [tilespmem:v38+s15+$0x0], $0xffff;
	v1 =	vmul.f32 v1, v63;
	v55 =	vmul.f32 v55, v63  }
0xdc: {  	v44 =	vadd.s32 v35, v44;
	v39 =	vld.idx.msk [tilespmem:v39+s15+$0x0], $0xffff;
	v56 =	vmul.f32 v56, v63;
	v54 =	vmul.f32 v54, v63  }
0xdd: {  	v4 =	vld.idx.msk [tilespmem:v4+s15+$0x0], $0xffff;
	v58 =	vmul.f32 v58, v63;
	v45 =	vadd.f32 v51, v45;
	v1 =	vadd.f32 v1, v52  }
0xde: {  	v7 =	vld.idx.msk [tilespmem:v7+s15+$0x0], $0xffff;
	v47 =	vadd.f32 v53, v47;
	v49 =	vadd.f32 v55, v49;
	v60 =	vmul.f32 v60, v63  }
0xdf: {  	v9 =	vld.idx.msk [tilespmem:v9+s15+$0x0], $0xffff;
	v46 =	vadd.f32 v54, v46;
	v61 =	vmul.f32 v61, v63;
	v62 =	vmul.f32 v62, v63  }
0xe0: {  	v10 =	vld.idx.msk [tilespmem:v10+s15+$0x0], $0xffff;
	v48 =	vadd.f32 v58, v48;
	v2 =	vmul.f32 v2, v63;
	v58 =	vmul.f32 v59, v63  }
0xe1: {  	v6 =	vld.idx.msk [tilespmem:v6+s15+$0x0], $0xffff;
	v50 =	vadd.f32 v56, v50;
	v1 =	vmul.f32 v1, v63;
	v59 =	vmul.f32 v47, v63  }
0xe2: {  	s24 =	sadd.s32 $0x10, s24;
	v44 =	vld.idx.msk [tilespmem:v44+s15+$0x0], $0xffff;
	v49 =	vmul.f32 v49, v63;
	v38 =	vadd.f32 v62, v38;
	v2 =	vadd.f32 v2, v39  }
0xe3: {  	v50 =	vmul.f32 v50, v63;
	v57 =	vadd.f32 v60, v57;
	v60 =	vld [tilespmem:s24+$0x0];
	v4 =	vadd.f32 v61, v4  }
0xe4: {  	v7 =	vadd.f32 v58, v7;
	v38 =	vmul.f32 v38, v63;
	v2 =	vmul.f32 v2, v63  }
0xe5: {  	v8 =	vld.idx.msk [tilespmem:v8+s15+$0x0], $0xffff;
	v1 =	vadd.f32 v1, v42;
	v61 =	vmul.f32 v57, v63;
	v4 =	vmul.f32 v4, v63  }
0xe6: {  	v3 =	vld.idx.msk [tilespmem:v3+s15+$0x0], $0xffff;
	v7 =	vmul.f32 v7, v63;
	v10 =	vadd.f32 v38, v10;
	v2 =	vadd.f32 v2, v9  }
0xe7: {  	v6 =	vadd.f32 v61, v6;
	v4 =	vadd.f32 v4, v43;
	v9 =	vmul.f32 v48, v63  }
0xe8: {  	v5 =	vld.idx.msk [tilespmem:v5+s15+$0x0], $0xffff;
	v7 =	vadd.f32 v7, v44;
	v62 =	vmul.f32 v10, v60;
	v2 =	vmul.f32 v2, v60  }
0xe9: {  	v44 =	vadd.f32 v50, v41;
	v48 =	vmul.f32 v46, v63;
	v9 =	vadd.f32 v9, v40  }
0xea: {  	v0 =	vld.idx.msk [tilespmem:v0+s15+$0x0], $0xffff;
	v6 =	vadd.f32 v62, v6;
	v2 =	vadd.f32 v2, v4;
	v4 =	vmul.f32 v7, v60  }
0xeb: {  	v3 =	vadd.f32 v49, v3;
	v7 =	vadd.f32 v48, v8;
	v8 =	vmul.f32 v9, v60  }
0xec: {  	v6 =	vmul.f32 v6, v60;
	v2 =	vmul.f32 v2, v60;
	v4 =	vadd.f32 v4, v44  }
0xed: {  	v5 =	vadd.f32 v59, v5;
	v50 =	vmul.f32 v45, v63;
	v8 =	vadd.f32 v8, v7  }
0xee: {  	v1 =	vadd.f32 v6, v1;
	v2 =	vadd.f32 v2, v3;
	v3 =	vmul.f32 v4, v60  }
0xef: {  	v0 =	vadd.f32 v50, v0;
	v4 =	vmul.f32 v8, v60  }
0xf0: {  	v1 =	vmul.f32 v1, v1;
	v2 =	vmul.f32 v2, v2;
	v3 =	vadd.f32 v3, v5;
	_ =	sdelay $0x1  }
0xf1: {  	v0 =	vadd.f32 v4, v0;
	v1 =	vadd.f32 v2, v1;
	v51 =	vmul.f32 v3, v3;
	_ =	sdelay $0x1  }
0xf2: {  	v0 =	vmul.f32 v0, v0;
	v1 =	vadd.f32 v51, v1;
	_ =	sdelay $0x1  }
0xf3: {  	v0 =	vadd.f32 v0, v1;
	_ =	sdelay $0x1  }
0xf4: {  	v0 =	vmax.f32 v0, $9.999999350e-39  }
0xf5: {  	v52 =	vmul.f32 $1.844674410e+19, v0  }
0xf6: {  	vm0 =	vlt.f32 v0, $1.175494350e-38  }
0xf7: {  	v0 =	vsel vm0, v52, v0  }
0xf8: {  	v54 =	vand.u32 $0x7FFFFF, v0  }
0xf9: {  	v2 =	vor.u32 $0x3F800000, v54  }
0xfa: {  	v3 =	vmul.f32 $5.000000000e-01, v2  }
0xfb: {  	vm15 =	vgt.f32 v2, $1.414213540e+00  }
0xfc: {  	v2 =	vsel vm15, v3, v2  }
0xfd: {  	v4 =	vadd.f32 $1.000000000e+00, v2;
	_ =	sdelay $0x1  }
0xfe: {  	(erf) = vrcp.f32 v4;
	_ =	sdelay $0x7  }
0xff: {  	v2 =	vadd.f32 $-1.000000000e+00, v2  }
0x100: {  	v4 =	vpop (erf)  }
0x101: {  	v2 =	vmul.f32 v4, v2;
	_ =	sdelay $0x1  }
0x102: {  	v4 =	vmul.f32 v2, v2;
	_ =	sdelay $0x1  }
0x103: {  	v5 =	vmul.f32 $2.857142980e-01, v4;
	_ =	sdelay $0x1  }
0x104: {  	v5 =	vadd.f32 $4.000000060e-01, v5;
	_ =	sdelay $0x1  }
0x105: {  	v5 =	vmul.f32 v5, v4  }
0x106: {  	v3 =	vimm.s32 $0xFFFFFF81  }
0x107: {  	v0 =	vshra.s32 v0, $0x17;
	v3 =	vsel vm15, $0xFFFFFF82, v3;
	v5 =	vadd.f32 $6.666666860e-01, v5  }
0x108: {  	v53 =	vimm.f32 $0.0e+00;
	v55 =	vld [tilespmem:$0x1FFE0];
	v8 =	vmov s26;
	v0 =	vadd.s32 v0, v3  }
0x109: {  	v3 =	vmul.u32 $0x30, v8;
	v0 =	vcvt.s32.f32 v0;
	v4 =	vmul.f32 v5, v4  }
0x10a: {  	v1 =	vsel vm0, $0x42800000, v53  }
0x10b: {  	v56 =	vld [tilespmem:$0x1FF60];
	v44 =	vbroadcast v3, $0x0;
	v0 =	vsub.f32 v0, v1;
	v3 =	vadd.f32 $2.000000000e+00, v4  }
0x10c: {  	v58 =	vld [tilespmem:$0x1FF70]  }
0x10d: {  	v61 =	vld [tilespmem:$0x1FFA0];
	v1 =	vadd.s32 v55, v44;
	v0 =	vmul.f32 $6.931471820e-01, v0;
	v2 =	vmul.f32 v3, v2  }
0x10e: {  	v63 =	vld [tilespmem:$0x1FF90];
	v3 =	vadd.s32 v11, v44  }
0x10f: {  	v5 =	vadd.s32 v32, v44;
	v4 =	vld [tilespmem:$0x1FF80];
	v0 =	vadd.f32 v2, v0  }
0x110: {  	s25 =	sadd.s32 $0x10, s25;
	v60 =	vld [tilespmem:$0x1FFB0]  }
0x111: {  	v8 =	vld [tilespmem:$0x1FFD0];
	v57 =	vadd.s32 v30, v44;
	[tilespmem:s25+$0x0] =	vst v0  }
0x112: {  	v59 =	vadd.s32 v21, v44;
	v45 =	vld.idx.msk [tilespmem:v1+s15+$0x0], $0xffff  }
0x113: {  	v62 =	vadd.s32 v22, v44;
	v42 =	vld.idx.msk [tilespmem:v3+s15+$0x0], $0xffff  }
0x114: {  	v4 =	vadd.s32 v4, v44;
	v41 =	vld.idx.msk [tilespmem:v5+s15+$0x0], $0xffff  }
0x115: {  	v2 =	vadd.s32 v56, v44;
	v5 =	vld [tilespmem:$0x1FFC0]  }
0x116: {  	v1 =	vadd.s32 v58, v44;
	v47 =	vld.idx.msk [tilespmem:v57+s15+$0x0], $0xffff  }
0x117: {  	v3 =	vadd.s32 v31, v44;
	v49 =	vld.idx.msk [tilespmem:v59+s15+$0x0], $0xffff  }
0x118: {  	v0 =	vadd.s32 v60, v44;
	v55 =	vld.idx.msk [tilespmem:v62+s15+$0x0], $0xffff  }
0x119: {  	v40 =	vld.idx.msk [tilespmem:v4+s15+$0x0], $0xffff;
	v4 =	vadd.s32 v23, v44  }
0x11a: {  	v51 =	vld.idx.msk [tilespmem:v2+s15+$0x0], $0xffff;
	v5 =	vadd.s32 v5, v44  }
0x11b: {  	v46 =	vld.idx.msk [tilespmem:v1+s15+$0x0], $0xffff;
	v1 =	vadd.s32 v61, v44  }
0x11c: {  	p0 =	sne.s32 s26, $0x70;
	v53 =	vld.idx.msk [tilespmem:v3+s15+$0x0], $0xffff;
	v3 =	vadd.s32 v33, v44  }
.Ltmp1:
0x11d: {  	v48 =	vld.idx.msk [tilespmem:v0+s15+$0x0], $0xffff;
	(pc) =	sbr.rel @p0 .LBB2_5-.Ltmp1, $4  }
0x11e: {  	v43 =	vld.idx.msk [tilespmem:v4+s15+$0x0], $0xffff  }
0x11f: {  	v39 =	vmov v27;
	v10 =	vmov v18;
	v9 =	vmov v28;
	v52 =	vld.idx.msk [tilespmem:v5+s15+$0x0], $0xffff  }
0x120: {  	v7 =	vmovc v19;
	v6 =	vmov v37;
	v56 =	vadd.s32 v34, v44;
	v59 =	vadd.s32 v8, v44;
	v54 =	vld.idx.msk [tilespmem:v1+s15+$0x0], $0xffff  }
0x121: {  	s26 =	sadd.s32 $0x10, s26;
	v58 =	vadd.s32 v63, v44;
	v57 =	vadd.s32 v15, v44;
	v4 =	vmovc v16;
	v5 =	vmov v25;
	v50 =	vld.idx.msk [tilespmem:v3+s15+$0x0], $0xffff  }
0x122: {  	_ =	sdelay $0x3  }
0x123: {  	v0 =	vld.idx.msk [tilespmem:v59+s15+$0x0], $0xffff;
	v1 =	vadd.s32 v6, v44  }
0x124: {  	v2 =	vadd.s32 v4, v44;
	v3 =	vld.idx.msk [tilespmem:v58+s15+$0x0], $0xffff  }
0x125: {  	v4 =	vadd.s32 v5, v44;
	v5 =	vld.idx.msk [tilespmem:v56+s15+$0x0], $0xffff  }
0x126: {  	v6 =	vld.idx.msk [tilespmem:v57+s15+$0x0], $0xffff;
	v7 =	vadd.s32 v19, v44;
	s23 =	sadd.s32 $0x10, s23  }
0x127: {  	v9 =	vadd.s32 v28, v44;
	v8 =	vld [tilespmem:s23+$0x0]  }
0x128: {  	v10 =	vadd.s32 v18, v44;
	v1 =	vld.idx.msk [tilespmem:v1+s15+$0x0], $0xffff  }
0x129: {  	v38 =	vadd.s32 v39, v44;
	v39 =	vadd.s32 v12, v44;
	v2 =	vld.idx.msk [tilespmem:v2+s15+$0x0], $0xffff  }
0x12a: {  	v56 =	vadd.s32 v20, v44;
	v57 =	vadd.s32 v24, v44;
	v58 =	vadd.s32 v29, v44;
	v4 =	vld.idx.msk [tilespmem:v4+s15+$0x0], $0xffff  }
0x12b: {  	v59 =	vadd.s32 v14, v44;
	v60 =	vadd.s32 v36, v44;
	v63 =	vadd.s32 v17, v44;
	v7 =	vld.idx.msk [tilespmem:v7+s15+$0x0], $0xffff  }
0x12c: {  	v61 =	vadd.s32 v13, v44;
	v62 =	vadd.s32 v26, v44;
	v9 =	vld.idx.msk [tilespmem:v9+s15+$0x0], $0xffff;
	v51 =	vmul.f32 v51, v8  }
0x12d: {  	v44 =	vadd.s32 v35, v44;
	v10 =	vld.idx.msk [tilespmem:v10+s15+$0x0], $0xffff;
	v53 =	vmul.f32 v53, v8;
	v0 =	vmul.f32 v0, v8  }
0x12e: {  	v38 =	vld.idx.msk [tilespmem:v38+s15+$0x0], $0xffff;
	v55 =	vmul.f32 v55, v8;
	v54 =	vmul.f32 v54, v8;
	v45 =	vadd.f32 v51, v45  }
0x12f: {  	v57 =	vld.idx.msk [tilespmem:v57+s15+$0x0], $0xffff;
	v5 =	vmul.f32 v5, v8;
	v0 =	vadd.f32 v0, v52;
	v47 =	vadd.f32 v53, v47  }
0x130: {  	v63 =	vld.idx.msk [tilespmem:v63+s15+$0x0], $0xffff;
	v3 =	vmul.f32 v3, v8;
	v49 =	vadd.f32 v55, v49;
	v46 =	vadd.f32 v54, v46  }
0x131: {  	v51 =	vld.idx.msk [tilespmem:v60+s15+$0x0], $0xffff;
	v5 =	vadd.f32 v5, v50;
	v2 =	vmul.f32 v2, v8;
	v4 =	vmul.f32 v4, v8  }
0x132: {  	v52 =	vld.idx.msk [tilespmem:v62+s15+$0x0], $0xffff;
	v3 =	vadd.f32 v3, v48;
	v7 =	vmul.f32 v7, v8;
	v9 =	vmul.f32 v9, v8  }
0x133: {  	s30 =	sadd.s32 $0x10, s24;
	v55 =	vld.idx.msk [tilespmem:v59+s15+$0x0], $0xffff;
	v1 =	vmul.f32 v1, v8;
	v0 =	vmul.f32 v0, v8;
	v2 =	vadd.f32 v2, v6  }
0x134: {  	v59 =	vld [tilespmem:s30+$0x0];
	v60 =	vmul.f32 v49, v8;
	v6 =	vadd.f32 v7, v10;
	v7 =	vadd.f32 v9, v38  }
0x135: {  	v5 =	vmul.f32 v5, v8;
	v3 =	vmul.f32 v3, v8;
	v10 =	vld.idx.msk [tilespmem:v44+s15+$0x0], $0xffff;
	v4 =	vadd.f32 v4, v57  }
0x136: {  	v1 =	vadd.f32 v1, v51;
	v6 =	vmul.f32 v6, v8;
	v7 =	vmul.f32 v7, v8  }
0x137: {  	v61 =	vld.idx.msk [tilespmem:v61+s15+$0x0], $0xffff;
	v0 =	vadd.f32 v0, v42;
	v2 =	vmul.f32 v2, v8;
	v4 =	vmul.f32 v4, v8  }
0x138: {  	v62 =	vld.idx.msk [tilespmem:v56+s15+$0x0], $0xffff;
	v1 =	vmul.f32 v1, v8;
	v6 =	vadd.f32 v6, v63;
	v7 =	vadd.f32 v7, v52  }
0x139: {  	v9 =	vmul.f32 v47, v8;
	v2 =	vadd.f32 v2, v55;
	v4 =	vadd.f32 v4, v43  }
0x13a: {  	v63 =	vld.idx.msk [tilespmem:v58+s15+$0x0], $0xffff;
	v1 =	vadd.f32 v1, v10;
	v6 =	vmul.f32 v6, v59;
	v7 =	vmul.f32 v7, v59  }
0x13b: {  	v5 =	vadd.f32 v5, v41;
	v3 =	vadd.f32 v3, v40;
	v10 =	vmul.f32 v46, v8  }
0x13c: {  	v39 =	vld.idx.msk [tilespmem:v39+s15+$0x0], $0xffff;
	v1 =	vmul.f32 v1, v59;
	v2 =	vadd.f32 v6, v2;
	v4 =	vadd.f32 v7, v4  }
0x13d: {  	v3 =	vmul.f32 v3, v59;
	v6 =	vadd.f32 v60, v62;
	v7 =	vadd.f32 v10, v61  }
0x13e: {  	v1 =	vadd.f32 v1, v5;
	v2 =	vmul.f32 v2, v59;
	v4 =	vmul.f32 v4, v59  }
0x13f: {  	v8 =	vmul.f32 v45, v8;
	v5 =	vadd.f32 v9, v63;
	v3 =	vadd.f32 v3, v7  }
0x140: {  	v1 =	vmul.f32 v1, v59;
	v0 =	vadd.f32 v2, v0;
	v2 =	vadd.f32 v4, v6  }
0x141: {  	v4 =	vadd.f32 v8, v39;
	v3 =	vmul.f32 v3, v59  }
0x142: {  	v1 =	vadd.f32 v1, v5;
	v0 =	vmul.f32 v0, v0;
	v2 =	vmul.f32 v2, v2;
	_ =	sdelay $0x1  }
0x143: {  	v1 =	vmul.f32 v1, v1;
	v0 =	vadd.f32 v2, v0;
	v2 =	vadd.f32 v3, v4;
	_ =	sdelay $0x1  }
0x144: {  	v0 =	vadd.f32 v1, v0;
	v1 =	vmul.f32 v2, v2;
	_ =	sdelay $0x1  }
0x145: {  	v0 =	vadd.f32 v1, v0;
	_ =	sdelay $0x1  }
0x146: {  	v0 =	vmax.f32 v0, $9.999999350e-39  }
0x147: {  	v1 =	vmul.f32 $1.844674410e+19, v0  }
0x148: {  	vm0 =	vlt.f32 v0, $1.175494350e-38  }
0x149: {  	v0 =	vsel vm0, v1, v0  }
0x14a: {  	v1 =	vand.u32 $0x7FFFFF, v0  }
0x14b: {  	v1 =	vor.u32 $0x3F800000, v1  }
0x14c: {  	v2 =	vmul.f32 $5.000000000e-01, v1  }
0x14d: {  	vm1 =	vgt.f32 v1, $1.414213540e+00  }
0x14e: {  	v1 =	vsel vm1, v2, v1  }
0x14f: {  	v2 =	vadd.f32 $1.000000000e+00, v1;
	_ =	sdelay $0x1  }
0x150: {  	(erf) = vrcp.f32 v2;
	_ =	sdelay $0x7  }
0x151: {  	v1 =	vadd.f32 $-1.000000000e+00, v1  }
0x152: {  	v2 =	vpop (erf)  }
0x153: {  	v1 =	vmul.f32 v2, v1;
	_ =	sdelay $0x1  }
0x154: {  	v2 =	vmul.f32 v1, v1;
	_ =	sdelay $0x1  }
0x155: {  	v3 =	vmul.f32 $2.857142980e-01, v2;
	_ =	sdelay $0x1  }
0x156: {  	v3 =	vadd.f32 $4.000000060e-01, v3;
	_ =	sdelay $0x1  }
0x157: {  	v3 =	vmul.f32 v3, v2  }
0x158: {  	v4 =	vimm.s32 $0xFFFFFF81  }
0x159: {  	v0 =	vshra.s32 v0, $0x17;
	v4 =	vsel vm1, $0xFFFFFF82, v4;
	v3 =	vadd.f32 $6.666666860e-01, v3  }
0x15a: {  	v0 =	vadd.s32 v0, v4  }
0x15b: {  	v0 =	vcvt.s32.f32 v0;
	v2 =	vmul.f32 v3, v2;
	v3 =	vimm.f32 $0.0e+00  }
0x15c: {  	v3 =	vsel vm0, $0x42800000, v3  }
0x15d: {  	v10 =	vmov v18;
	v18 =	vld [tilespmem:$0x1FF70];
	v2 =	vadd.f32 $2.000000000e+00, v2;
	v0 =	vsub.f32 v0, v3  }
0x15e: {  	v9 =	vmov v28;
	v28 =	vld [tilespmem:$0x1FF90]  }
0x15f: {  	s22 =	sadd.s32 $0x1, s22;
	v8 =	vld [tilespmem:$0x1FFE0];
	v1 =	vmul.f32 v2, v1;
	v0 =	vmul.f32 $6.931471820e-01, v0  }
0x160: {  	p0 =	sne.s32 s22, $0x7B;
	v7 =	vmov v19;
	v19 =	vld [tilespmem:$0x1FFA0]  }
.Ltmp2:
0x161: {  	v39 =	vmov v27;
	v27 =	vld [tilespmem:$0x1FFB0];
	v0 =	vadd.f32 v1, v0;
	v1 =	vimm.s32 $0xFF;
	(pc) =	sbr.rel @p0 .LBB2_2-.Ltmp2, $4  }
0x162: {  	v5 =	vmov v25;
	v25 =	vld [tilespmem:$0x1FF80]  }
0x163: {  	v4 =	vmov v16;
	v16 =	vld [tilespmem:$0x1FFD0]  }
0x164: {  	s31 =	sadd.s32 $0x10, s25;
	v3 =	vld [tilespmem:$0x1FFC0]  }
0x165: {  	s19 =	sadd.s32 $0x80, s19;
	s21 =	sadd.s32 $0x80, s21;
	s20 =	sadd.s32 $0x80, s20;
	v14 =	vimm.f32 $0.0e+00;
	v6 =	vmovc v37;
	v37 =	vimm.s32 $0xFFFFFF81;
	v2 =	vimm.s32 $0x0;
	[tilespmem:s31+$0x0] =	vst v0;
	v0 =	vmovc v11;
	v11 =	vld [tilespmem:$0x1FF60]  }
0x166: {  	s18 =	sadd.s32 $0x1, s18  }
0x167: {  	p0 =	sne.s32 s18, s9  }
.Ltmp3:
0x168: {  	_ = 	snop;
	(pc) =	sbr.rel @p0 .LBB2_1-.Ltmp3, $4  }
0x169: {  	[hbm4b:s8+s4] =	stream.linear.scatter [tilespmem:s17], [sflag:$0x2], $0x3D80, $0x38;
	[tilespmem:$0xD600] =	vst v63  }
0x16a: {  	_ =	swait.ge [sflag:s10], $0x3D80  }
0x16b: {  	[sflag:s10] =	ssyncset.done $0x0  }
0x16c: {  	[sflag:s10] =	ssyncadd.s32 $0xFFFFC280  }
0x16d: {  	_ =	sfence.sel $0x180000  }
0x16e: {  	[bflag:$0x0] =	sbarrier.arrive $0xFFFF  }
0x16f: {  	p0 =	sne.s32 s2, $0x0;
	_ =	strace $0x90000047  }
0x170: {  	s0 =	sadd.s32 @!p0 $0x100000, s3;
	[bflag:$0x2] =	sbarrier.arrive $0xFFFF  }
0x171: {  	[sflag:s0] =	ssyncadd.tile.s32 @!p0 $0x1;
	_ =	shalt  }
.Lfunc_end2:
_tile_overlayer_lowered:
.L_overlay_start_2:
0x172: {  	(tag) =	ssettag $0x2  }
0x173: {  	s0 =	rddreg [dreg:$0x0];
	s2 =	stileid.u32  }
0x174: {  	s1 =	rddreg [dreg:$0x1];
	p0 =	sne.s32 s2, $0x0  }
0x175: {  	s3 =	rddreg [dreg:$0x2];
	[bflag:$0x3] =	sbarrier.arrive $0xFFFF;
	s2 =	simm.s32 @!p0 $0x1C02  }
0x176: {  	[timem:s3], [sflag:s2] =	dma.local @!p0 [hbm:s0], s1  }
0x177: {  	s0 =	simm.s32 @!p0 $0x2  }
0x178: {  	_ =	swait.ge @!p0 [sflag:s0], s1  }
0x179: {  	s1 =	ssub.s32 @!p0 $0x0, s1;
	[sflag:s0] =	ssyncset.done @!p0 $0x0  }
0x17a: {  	[sflag:s0] =	ssyncadd.s32 @!p0 s1  }
0x17b: {  	[bflag:$0x3] =	sbarrier.arrive $0xFFFF  }
0x17c: {  	_ =	shalt  }

</sc_bundles>
